<compile_context>
chip_gen: v7x
topology: tpu7x:2x2x1
jax: 0.10.2.dev20260603
libtpu: 0.0.44.dev20260713+nightly
codegen_flags: <defaults>
</compile_context>

<pallas_src>
import functools

import jax
import jax.numpy as jnp
from jax import lax
from jax.experimental import pallas as pl
from jax.experimental.pallas import tpu as pltpu
from jax.experimental.pallas import tpu_sc as plsc

N = 10000
NP = 10240
E = 320000
H = 128
NC = 2
NS = 16
NW = NC * NS
EPW = E // NW
C = 80
NCHUNK = 125
RPT = NP // NS

_HIGH = lax.Precision.HIGHEST

_mesh = plsc.VectorSubcoreMesh(
    core_axis_name="c", subcore_axis_name="s", num_cores=NC, num_subcores=NS)


@functools.partial(
    pl.kernel,
    mesh=_mesh,
    out_type=jax.ShapeDtypeStruct((2 * NP, H), jnp.float32),
    scratch_types=[
        pltpu.VMEM((NCHUNK, C), jnp.int32),
        pltpu.VMEM((NCHUNK, C), jnp.int32),
        pltpu.VMEM((C, H), jnp.float32),
        pltpu.VMEM_SHARED((NP, H), jnp.float32),
        pltpu.SemaphoreType.DMA,
    ],
)
def _segsum_sc(p_hbm, src3, dst3, zeros_hbm, out_hbm,
               sslab, dslab, rows, acc, sem):
    cid = lax.axis_index("c")
    sid = lax.axis_index("s")
    wid = cid * NS + sid
    pltpu.sync_copy(zeros_hbm.at[pl.ds(sid * RPT, RPT), :],
                    acc.at[pl.ds(sid * RPT, RPT), :])
    pltpu.sync_copy(src3.at[wid], sslab)
    pltpu.sync_copy(dst3.at[wid], dslab)
    plsc.subcore_barrier()

    def body(i, carry):
        pltpu.async_copy(p_hbm.at[sslab.at[i]], rows, sem).wait()
        pltpu.sync_copy(rows, acc.at[dslab.at[i]], add=True)
        return carry

    lax.fori_loop(0, NCHUNK, body, 0)
    plsc.subcore_barrier()
    pltpu.sync_copy(acc.at[pl.ds(sid * RPT, RPT), :],
                    out_hbm.at[pl.ds(cid * NP + sid * RPT, RPT), :])


@functools.partial(
    pl.kernel,
    mesh=_mesh,
    out_type=jax.ShapeDtypeStruct((2 * NP, H), jnp.float32),
    scratch_types=[
        pltpu.VMEM((NCHUNK, C), jnp.int32),
        pltpu.VMEM((C, H), jnp.float32),
        pltpu.VMEM_SHARED((NP, H), jnp.float32),
    ],
)
def _deg_sc(dst3, zeros_hbm, out_hbm, dslab, ones_v, deg_sh):
    cid = lax.axis_index("c")
    sid = lax.axis_index("s")
    wid = cid * NS + sid
    pltpu.sync_copy(zeros_hbm.at[pl.ds(sid * RPT, RPT), :],
                    deg_sh.at[pl.ds(sid * RPT, RPT), :])
    pltpu.sync_copy(dst3.at[wid], dslab)

    def fill(j, carry):
        for l in range(H // 16):
            ones_v[j, pl.ds(l * 16, 16)] = jnp.full((16,), 1.0, jnp.float32)
        return carry

    lax.fori_loop(0, C, fill, 0)
    plsc.subcore_barrier()

    def body(k, carry):
        pltpu.sync_copy(ones_v, deg_sh.at[dslab.at[k]], add=True)
        return carry

    lax.fori_loop(0, NCHUNK, body, 0)
    plsc.subcore_barrier()
    pltpu.sync_copy(deg_sh.at[pl.ds(sid * RPT, RPT), :],
                    out_hbm.at[pl.ds(cid * NP + sid * RPT, RPT), :])


BN = 2000


def _emb_pq_body(x_ref, we_ref, be_ref, wl_ref, wr_ref, p_ref, q_ref):
    hh = jax.nn.relu(
        jnp.dot(x_ref[...], we_ref[...], precision=_HIGH,
                preferred_element_type=jnp.float32) + be_ref[...])
    p_ref[...] = jnp.dot(hh, wl_ref[...], precision=_HIGH,
                         preferred_element_type=jnp.float32)
    q_ref[...] = jnp.dot(hh, wr_ref[...], precision=_HIGH,
                         preferred_element_type=jnp.float32)


def _deg_body(d0_ref, d1_ref, out_ref):
    d = jnp.maximum(d0_ref[:, 0:1] + d1_ref[:, 0:1], 1.0)
    out_ref[...] = jnp.broadcast_to(d, (BN, H))


def _comb_pq_body(a0_ref, a1_ref, dg_ref, q_ref, b_ref, wl_ref, wr_ref,
                  p_ref, qn_ref):
    hh = jax.nn.relu((a0_ref[...] + a1_ref[...]) / dg_ref[...]
                     + b_ref[...] + q_ref[...])
    p_ref[...] = jnp.dot(hh, wl_ref[...], precision=_HIGH,
                         preferred_element_type=jnp.float32)
    qn_ref[...] = jnp.dot(hh, wr_ref[...], precision=_HIGH,
                          preferred_element_type=jnp.float32)


def _comb_body(a0_ref, a1_ref, dg_ref, q_ref, b_ref, h_ref):
    h_ref[...] = jax.nn.relu((a0_ref[...] + a1_ref[...]) / dg_ref[...]
                             + b_ref[...] + q_ref[...])


def _row_spec():
    return pl.BlockSpec((BN, H), lambda i: (i, 0))


def _w_spec():
    return pl.BlockSpec((H, H), lambda i: (0, 0))


def _b_spec():
    return pl.BlockSpec((1, H), lambda i: (0, 0))


def _f32(shape):
    return jax.ShapeDtypeStruct(shape, jnp.float32)


def kernel(x, edge_index, W_emb, b_emb, Wl0, bl0, Wr0, Wl1, bl1, Wr1,
           Wl2, bl2, Wr2, Wl3, bl3, Wr3):
    grid = (N // BN,)
    src3 = edge_index[0].reshape(NW, NCHUNK, C)
    dst3 = edge_index[1].reshape(NW, NCHUNK, C)
    zeros = jnp.zeros((NP, H), jnp.float32)

    dacc = _deg_sc(dst3, zeros)
    degc = pl.pallas_call(
        _deg_body, grid=grid,
        in_specs=[pl.BlockSpec((BN, H), lambda i: (i, 0)),
                  pl.BlockSpec((BN, H), lambda i: (i, 0))],
        out_specs=_row_spec(), out_shape=_f32((N, H)),
    )(dacc[:N], dacc[NP:NP + N])

    p, q = pl.pallas_call(
        _emb_pq_body, grid=grid,
        in_specs=[_row_spec(), _w_spec(), _b_spec(), _w_spec(), _w_spec()],
        out_specs=[_row_spec(), _row_spec()],
        out_shape=[_f32((N, H)), _f32((N, H))],
    )(x, W_emb, b_emb.reshape(1, H), Wl0, Wr0)
    p, dacc = lax.optimization_barrier((p, dacc))

    layer_b = [bl0, bl1, bl2, bl3]
    next_w = [(Wl1, Wr1), (Wl2, Wr2), (Wl3, Wr3), None]
    h = None
    for li in range(4):
        acc = _segsum_sc(p, src3, dst3, zeros)
        a0, a1 = acc[:N], acc[NP:NP + N]
        bl = layer_b[li].reshape(1, H)
        if next_w[li] is not None:
            wl_n, wr_n = next_w[li]
            p, q = pl.pallas_call(
                _comb_pq_body, grid=grid,
                in_specs=[_row_spec(), _row_spec(), _row_spec(), _row_spec(),
                          _b_spec(), _w_spec(), _w_spec()],
                out_specs=[_row_spec(), _row_spec()],
                out_shape=[_f32((N, H)), _f32((N, H))],
            )(a0, a1, degc, q, bl, wl_n, wr_n)
        else:
            h = pl.pallas_call(
                _comb_body, grid=grid,
                in_specs=[_row_spec(), _row_spec(), _row_spec(), _row_spec(),
                          _b_spec()],
                out_specs=_row_spec(), out_shape=_f32((N, H)),
            )(a0, a1, degc, q, bl)
    return h

# --- scband reference (transcript-rebuilt; emitter-appended) ---
"""Pipeline reference for scband-wiki-graph-sage-23124103922158 (READ-ONLY COPY).

The authoritative reference and input builder live on the scoring server;
editing this copy changes nothing except your own understanding.
"""

import jax, jax.numpy as jnp
import numpy as np

N = 10000
E = 320000
D = 128
H = 128
NUM_LAYERS = 4


def setup_inputs(seed: int = 0) -> dict:
    key = jax.random.key(seed)
    ks = jax.random.split(key, 3 + 3 * NUM_LAYERS)
    inp = {}
    inp["x"] = jax.random.normal(ks[0], (N, D), dtype=jnp.float32)
    inp["edge_index"] = jax.random.randint(ks[1], (2, E), 0, N, dtype=jnp.int32)
    inp["W_emb"] = jax.random.normal(ks[2], (D, H), dtype=jnp.float32) * 0.05
    inp["b_emb"] = jnp.zeros((H,), dtype=jnp.float32)
    for i in range(NUM_LAYERS):
        inp[f"Wl{i}"] = jax.random.normal(ks[3 + 3 * i], (H, H), dtype=jnp.float32) * 0.05
        inp[f"bl{i}"] = jnp.zeros((H,), dtype=jnp.float32)
        inp[f"Wr{i}"] = jax.random.normal(ks[4 + 3 * i], (H, H), dtype=jnp.float32) * 0.05
    return inp


def _sage_conv(h, src, dst, Wl, bl, Wr):
    # PyG SAGEConv (mean aggregation): out[i] = lin_l(mean_{j->i} h[j]) + lin_r(h[i])
    msg = jnp.take(h, src, axis=0)
    summed = jax.ops.segment_sum(msg, dst, num_segments=N)
    deg = jax.ops.segment_sum(jnp.ones((src.shape[0],), dtype=h.dtype), dst, num_segments=N)
    mean = summed / jnp.clip(deg, 1.0)[:, None]
    return mean @ Wl + bl + h @ Wr


def reference(x, edge_index, W_emb, b_emb, Wl0, bl0, Wr0, Wl1, bl1, Wr1, Wl2, bl2, Wr2, Wl3, bl3, Wr3):
    src = edge_index[0]
    dst = edge_index[1]
    # embedding + relu (dropout is identity in eval mode)
    h = jax.nn.relu(x @ W_emb + b_emb)
    layer_params = [(Wl0, bl0, Wr0), (Wl1, bl1, Wr1), (Wl2, bl2, Wr2), (Wl3, bl3, Wr3)]
    for (Wl, bl, Wr) in layer_params:
        h = jax.nn.relu(_sage_conv(h, src, dst, Wl, bl, Wr))
    return h

if __name__ == "__main__":
    import jax
    _d = setup_inputs()
    print(jax.jit(kernel)(*tuple(_d.values())))

</pallas_src>

<mosaic_0001>
#map = affine_map<(d0, d1) -> (0, 0)>
#map1 = affine_map<(d0, d1) -> (0, 0, 0)>
module attributes {stable_mosaic.version = 14 : i64} {
  func.func @_segsum_sc(%arg0: i32, %arg1: i32, %arg2: memref<10000x128xf32, #tpu.memory_space<hbm>>, %arg3: memref<32x125x80xi32, #tpu.memory_space<hbm>>, %arg4: memref<32x125x80xi32, #tpu.memory_space<hbm>>, %arg5: memref<10240x128xf32, #tpu.memory_space<hbm>>, %arg6: memref<20480x128xf32, #tpu.memory_space<hbm>>, %arg7: memref<125x80xi32, #tpu.memory_space<vmem>>, %arg8: memref<125x80xi32, #tpu.memory_space<vmem>>, %arg9: memref<80x128xf32, #tpu.memory_space<vmem>>, %arg10: memref<10240x128xf32, #tpu.memory_space<vmem_shared>>, %arg11: memref<!tpu.dma_semaphore, #tpu.memory_space<semaphore_mem>>) attributes {dimension_semantics = [#tpu.dimension_semantics<core_parallel>, #tpu.dimension_semantics<subcore_parallel>], iteration_bounds = array<i64: 2, 16>, scalar_prefetch = 0 : i64, scratch_operands = 5 : i64, tpu.core_type = #tpu.core_type<sc_vector_subcore>, window_params = [{transform_indices = #map}, {transform_indices = #map1}, {transform_indices = #map1}, {transform_indices = #map}, {transform_indices = #map}]} {
    %mul3A = arith.constant 16 : i32
    %mul3A_0 = arith.muli %arg0, %mul3A : i32
    %add3A = arith.addi %mul3A_0, %arg1 : i32
    %mul3A_1 = arith.constant 640 : i32
    %mul3A_2 = arith.muli %arg1, %mul3A_1 : i32
    %mul3A_3 = arith.constant 640 : i32
    %mul3A_4 = arith.muli %arg1, %mul3A_3 : i32
    "tpu.region"() ({
      %run_scoped3A = tpu.sem_alloc : memref<!tpu.dma_semaphore, #tpu.memory_space<semaphore_mem>>
      %dma_start3A = arith.constant 0 : i32
      %dma_start3A_18 = tpu.memref_slice %arg10[%mul3A_4, %dma_start3A] : memref<10240x128xf32, #tpu.memory_space<vmem_shared>> -> memref<640x128xf32, #tpu.memory_space<vmem_shared>>
      %dma_start3A_19 = arith.constant 0 : i32
      %dma_start3A_20 = tpu.memref_slice %arg5[%mul3A_2, %dma_start3A_19] : memref<10240x128xf32, #tpu.memory_space<hbm>> -> memref<640x128xf32, #tpu.memory_space<hbm>>
      tpu.enqueue_dma source(%dma_start3A_20 : memref<640x128xf32, #tpu.memory_space<hbm>>) target(%dma_start3A_18 : memref<640x128xf32, #tpu.memory_space<vmem_shared>>) target_semaphore(%run_scoped3A : memref<!tpu.dma_semaphore, #tpu.memory_space<semaphore_mem>>)
      %dma_wait3A = arith.constant 0 : i32
      %dma_wait3A_21 = tpu.memref_slice %arg10[%mul3A_4, %dma_wait3A] : memref<10240x128xf32, #tpu.memory_space<vmem_shared>> -> memref<640x128xf32, #tpu.memory_space<vmem_shared>>
      %dma_wait3A_22 = arith.constant 0 : i32
      %dma_wait3A_23 = tpu.memref_slice %arg5[%mul3A_2, %dma_wait3A_22] : memref<10240x128xf32, #tpu.memory_space<hbm>> -> memref<640x128xf32, #tpu.memory_space<hbm>>
      tpu.wait_dma2 semaphore(%run_scoped3A : memref<!tpu.dma_semaphore, #tpu.memory_space<semaphore_mem>>) src(%dma_wait3A_23 : memref<640x128xf32, #tpu.memory_space<hbm>>) dst(%dma_wait3A_21 : memref<640x128xf32, #tpu.memory_space<vmem_shared>>)
      tpu.yield
    }) : () -> ()
    "tpu.region"() ({
      %run_scoped3A = tpu.sem_alloc : memref<!tpu.dma_semaphore, #tpu.memory_space<semaphore_mem>>
      %dma_start3A = arith.constant 0 : i32
      %dma_start3A_18 = arith.constant 0 : i32
      %dma_start3A_19 = tpu.memref_slice %arg3[%add3A, %dma_start3A, %dma_start3A_18] : memref<32x125x80xi32, #tpu.memory_space<hbm>> -> memref<1x125x80xi32, #tpu.memory_space<hbm>>
      %dma_start3A_20 = tpu.memref_squeeze %dma_start3A_19 : memref<1x125x80xi32, #tpu.memory_space<hbm>> -> memref<125x80xi32, #tpu.memory_space<hbm>>
      %dma_start3A_21 = arith.constant 0 : i32
      %dma_start3A_22 = arith.constant 0 : i32
      %dma_start3A_23 = tpu.memref_slice %arg3[%add3A, %dma_start3A_21, %dma_start3A_22] : memref<32x125x80xi32, #tpu.memory_space<hbm>> -> memref<1x125x80xi32, #tpu.memory_space<hbm>>
      %dma_start3A_24 = tpu.memref_squeeze %dma_start3A_23 : memref<1x125x80xi32, #tpu.memory_space<hbm>> -> memref<125x80xi32, #tpu.memory_space<hbm>>
      tpu.enqueue_dma source(%dma_start3A_24 : memref<125x80xi32, #tpu.memory_space<hbm>>) target(%arg7 : memref<125x80xi32, #tpu.memory_space<vmem>>) target_semaphore(%run_scoped3A : memref<!tpu.dma_semaphore, #tpu.memory_space<semaphore_mem>>)
      %dma_wait3A = arith.constant 0 : i32
      %dma_wait3A_25 = arith.constant 0 : i32
      %dma_wait3A_26 = tpu.memref_slice %arg3[%add3A, %dma_wait3A, %dma_wait3A_25] : memref<32x125x80xi32, #tpu.memory_space<hbm>> -> memref<1x125x80xi32, #tpu.memory_space<hbm>>
      %dma_wait3A_27 = tpu.memref_squeeze %dma_wait3A_26 : memref<1x125x80xi32, #tpu.memory_space<hbm>> -> memref<125x80xi32, #tpu.memory_space<hbm>>
      %dma_wait3A_28 = arith.constant 0 : i32
      %dma_wait3A_29 = arith.constant 0 : i32
      %dma_wait3A_30 = tpu.memref_slice %arg3[%add3A, %dma_wait3A_28, %dma_wait3A_29] : memref<32x125x80xi32, #tpu.memory_space<hbm>> -> memref<1x125x80xi32, #tpu.memory_space<hbm>>
      %dma_wait3A_31 = tpu.memref_squeeze %dma_wait3A_30 : memref<1x125x80xi32, #tpu.memory_space<hbm>> -> memref<125x80xi32, #tpu.memory_space<hbm>>
      tpu.wait_dma2 semaphore(%run_scoped3A : memref<!tpu.dma_semaphore, #tpu.memory_space<semaphore_mem>>) src(%dma_wait3A_31 : memref<125x80xi32, #tpu.memory_space<hbm>>) dst(%arg7 : memref<125x80xi32, #tpu.memory_space<vmem>>)
      tpu.yield
    }) : () -> ()
    "tpu.region"() ({
      %run_scoped3A = tpu.sem_alloc : memref<!tpu.dma_semaphore, #tpu.memory_space<semaphore_mem>>
      %dma_start3A = arith.constant 0 : i32
      %dma_start3A_18 = arith.constant 0 : i32
      %dma_start3A_19 = tpu.memref_slice %arg4[%add3A, %dma_start3A, %dma_start3A_18] : memref<32x125x80xi32, #tpu.memory_space<hbm>> -> memref<1x125x80xi32, #tpu.memory_space<hbm>>
      %dma_start3A_20 = tpu.memref_squeeze %dma_start3A_19 : memref<1x125x80xi32, #tpu.memory_space<hbm>> -> memref<125x80xi32, #tpu.memory_space<hbm>>
      %dma_start3A_21 = arith.constant 0 : i32
      %dma_start3A_22 = arith.constant 0 : i32
      %dma_start3A_23 = tpu.memref_slice %arg4[%add3A, %dma_start3A_21, %dma_start3A_22] : memref<32x125x80xi32, #tpu.memory_space<hbm>> -> memref<1x125x80xi32, #tpu.memory_space<hbm>>
      %dma_start3A_24 = tpu.memref_squeeze %dma_start3A_23 : memref<1x125x80xi32, #tpu.memory_space<hbm>> -> memref<125x80xi32, #tpu.memory_space<hbm>>
      tpu.enqueue_dma source(%dma_start3A_24 : memref<125x80xi32, #tpu.memory_space<hbm>>) target(%arg8 : memref<125x80xi32, #tpu.memory_space<vmem>>) target_semaphore(%run_scoped3A : memref<!tpu.dma_semaphore, #tpu.memory_space<semaphore_mem>>)
      %dma_wait3A = arith.constant 0 : i32
      %dma_wait3A_25 = arith.constant 0 : i32
      %dma_wait3A_26 = tpu.memref_slice %arg4[%add3A, %dma_wait3A, %dma_wait3A_25] : memref<32x125x80xi32, #tpu.memory_space<hbm>> -> memref<1x125x80xi32, #tpu.memory_space<hbm>>
      %dma_wait3A_27 = tpu.memref_squeeze %dma_wait3A_26 : memref<1x125x80xi32, #tpu.memory_space<hbm>> -> memref<125x80xi32, #tpu.memory_space<hbm>>
      %dma_wait3A_28 = arith.constant 0 : i32
      %dma_wait3A_29 = arith.constant 0 : i32
      %dma_wait3A_30 = tpu.memref_slice %arg4[%add3A, %dma_wait3A_28, %dma_wait3A_29] : memref<32x125x80xi32, #tpu.memory_space<hbm>> -> memref<1x125x80xi32, #tpu.memory_space<hbm>>
      %dma_wait3A_31 = tpu.memref_squeeze %dma_wait3A_30 : memref<1x125x80xi32, #tpu.memory_space<hbm>> -> memref<125x80xi32, #tpu.memory_space<hbm>>
      tpu.wait_dma2 semaphore(%run_scoped3A : memref<!tpu.dma_semaphore, #tpu.memory_space<semaphore_mem>>) src(%dma_wait3A_31 : memref<125x80xi32, #tpu.memory_space<hbm>>) dst(%arg8 : memref<125x80xi32, #tpu.memory_space<vmem>>)
      tpu.yield
    }) : () -> ()
    %barrier3A = arith.constant 0 : index
    tpu.barrier barrier_id(%barrier3A)
    %scan3A = arith.constant 0 : i32
    %scan3A_5 = arith.constant 0 : i32
    %scan3A_6 = arith.constant 125 : i32
    %scan3A_7 = arith.addi %scan3A_5, %scan3A_6 : i32
    %scan3A_8 = arith.constant 1 : i32
    scf.for %scan3A_18 = %scan3A_5 to %scan3A_7 step %scan3A_8  : i32 {
      %dma_start3A = arith.constant 0 : i32
      %dma_start3A_19 = tpu.memref_slice %arg7[%scan3A_18, %dma_start3A] : memref<125x80xi32, #tpu.memory_space<vmem>> -> memref<1x80xi32, #tpu.memory_space<vmem>>
      %dma_start3A_20 = tpu.memref_squeeze %dma_start3A_19 : memref<1x80xi32, #tpu.memory_space<vmem>> -> memref<80xi32, #tpu.memory_space<vmem>>
      %dma_start3A_21 = arith.constant 0 : i32
      %dma_start3A_22 = arith.constant 0 : i32
      %dma_start3A_23 = tpu.memref_slice %arg2[%dma_start3A_21, %dma_start3A_22] : memref<10000x128xf32, #tpu.memory_space<hbm>> -> memref<10000x128xf32, #tpu.memory_space<hbm>>
      tpu.enqueue_indirect_dma source(%dma_start3A_23 : memref<10000x128xf32, #tpu.memory_space<hbm>>) target(%arg9 : memref<80x128xf32, #tpu.memory_space<vmem>>) offsets(%dma_start3A_20 : memref<80xi32, #tpu.memory_space<vmem>>) semaphore(%arg11 : memref<!tpu.dma_semaphore, #tpu.memory_space<semaphore_mem>>)
      %dma_wait3A = arith.constant 0 : i32
      %dma_wait3A_24 = tpu.memref_slice %arg7[%scan3A_18, %dma_wait3A] : memref<125x80xi32, #tpu.memory_space<vmem>> -> memref<1x80xi32, #tpu.memory_space<vmem>>
      %dma_wait3A_25 = tpu.memref_squeeze %dma_wait3A_24 : memref<1x80xi32, #tpu.memory_space<vmem>> -> memref<80xi32, #tpu.memory_space<vmem>>
      %dma_wait3A_26 = arith.constant 0 : i32
      %dma_wait3A_27 = arith.constant 0 : i32
      %dma_wait3A_28 = tpu.memref_slice %arg2[%dma_wait3A_26, %dma_wait3A_27] : memref<10000x128xf32, #tpu.memory_space<hbm>> -> memref<10000x128xf32, #tpu.memory_space<hbm>>
      tpu.wait_indirect_dma semaphore(%arg11 : memref<!tpu.dma_semaphore, #tpu.memory_space<semaphore_mem>>) src(%dma_wait3A_28 : memref<10000x128xf32, #tpu.memory_space<hbm>>) dst(%arg9 : memref<80x128xf32, #tpu.memory_space<vmem>>)
      "tpu.region"() ({
        %run_scoped3A = tpu.sem_alloc : memref<!tpu.dma_semaphore, #tpu.memory_space<semaphore_mem>>
        %dma_start3A_29 = arith.constant 0 : i32
        %dma_start3A_30 = tpu.memref_slice %arg8[%scan3A_18, %dma_start3A_29] : memref<125x80xi32, #tpu.memory_space<vmem>> -> memref<1x80xi32, #tpu.memory_space<vmem>>
        %dma_start3A_31 = tpu.memref_squeeze %dma_start3A_30 : memref<1x80xi32, #tpu.memory_space<vmem>> -> memref<80xi32, #tpu.memory_space<vmem>>
        %dma_start3A_32 = arith.constant 0 : i32
        %dma_start3A_33 = arith.constant 0 : i32
        %dma_start3A_34 = tpu.memref_slice %arg10[%dma_start3A_32, %dma_start3A_33] : memref<10240x128xf32, #tpu.memory_space<vmem_shared>> -> memref<10240x128xf32, #tpu.memory_space<vmem_shared>>
        tpu.enqueue_indirect_dma source(%arg9 : memref<80x128xf32, #tpu.memory_space<vmem>>) target(%dma_start3A_34 : memref<10240x128xf32, #tpu.memory_space<vmem_shared>>) offsets(%dma_start3A_31 : memref<80xi32, #tpu.memory_space<vmem>>) semaphore(%run_scoped3A : memref<!tpu.dma_semaphore, #tpu.memory_space<semaphore_mem>>) {add = true}
        %dma_wait3A_35 = arith.constant 0 : i32
        %dma_wait3A_36 = tpu.memref_slice %arg8[%scan3A_18, %dma_wait3A_35] : memref<125x80xi32, #tpu.memory_space<vmem>> -> memref<1x80xi32, #tpu.memory_space<vmem>>
        %dma_wait3A_37 = tpu.memref_squeeze %dma_wait3A_36 : memref<1x80xi32, #tpu.memory_space<vmem>> -> memref<80xi32, #tpu.memory_space<vmem>>
        %dma_wait3A_38 = arith.constant 0 : i32
        %dma_wait3A_39 = arith.constant 0 : i32
        %dma_wait3A_40 = tpu.memref_slice %arg10[%dma_wait3A_38, %dma_wait3A_39] : memref<10240x128xf32, #tpu.memory_space<vmem_shared>> -> memref<10240x128xf32, #tpu.memory_space<vmem_shared>>
        tpu.wait_indirect_dma semaphore(%run_scoped3A : memref<!tpu.dma_semaphore, #tpu.memory_space<semaphore_mem>>) src(%arg9 : memref<80x128xf32, #tpu.memory_space<vmem>>) dst(%dma_wait3A_40 : memref<10240x128xf32, #tpu.memory_space<vmem_shared>>)
        tpu.yield
      }) : () -> ()
    }
    %scan3A_9 = arith.constant 125 : i32
    %barrier3A_10 = arith.constant 0 : index
    tpu.barrier barrier_id(%barrier3A_10)
    %mul3A_11 = arith.constant 640 : i32
    %mul3A_12 = arith.muli %arg1, %mul3A_11 : i32
    %mul3A_13 = arith.constant 10240 : i32
    %mul3A_14 = arith.muli %arg0, %mul3A_13 : i32
    %mul3A_15 = arith.constant 640 : i32
    %mul3A_16 = arith.muli %arg1, %mul3A_15 : i32
    %add3A_17 = arith.addi %mul3A_14, %mul3A_16 : i32
    "tpu.region"() ({
      %run_scoped3A = tpu.sem_alloc : memref<!tpu.dma_semaphore, #tpu.memory_space<semaphore_mem>>
      %dma_start3A = arith.constant 0 : i32
      %dma_start3A_18 = tpu.memref_slice %arg6[%add3A_17, %dma_start3A] : memref<20480x128xf32, #tpu.memory_space<hbm>> -> memref<640x128xf32, #tpu.memory_space<hbm>>
      %dma_start3A_19 = arith.constant 0 : i32
      %dma_start3A_20 = tpu.memref_slice %arg10[%mul3A_12, %dma_start3A_19] : memref<10240x128xf32, #tpu.memory_space<vmem_shared>> -> memref<640x128xf32, #tpu.memory_space<vmem_shared>>
      tpu.enqueue_dma source(%dma_start3A_20 : memref<640x128xf32, #tpu.memory_space<vmem_shared>>) target(%dma_start3A_18 : memref<640x128xf32, #tpu.memory_space<hbm>>) target_semaphore(%run_scoped3A : memref<!tpu.dma_semaphore, #tpu.memory_space<semaphore_mem>>)
      %dma_wait3A = arith.constant 0 : i32
      %dma_wait3A_21 = tpu.memref_slice %arg6[%add3A_17, %dma_wait3A] : memref<20480x128xf32, #tpu.memory_space<hbm>> -> memref<640x128xf32, #tpu.memory_space<hbm>>
      %dma_wait3A_22 = arith.constant 0 : i32
      %dma_wait3A_23 = tpu.memref_slice %arg10[%mul3A_12, %dma_wait3A_22] : memref<10240x128xf32, #tpu.memory_space<vmem_shared>> -> memref<640x128xf32, #tpu.memory_space<vmem_shared>>
      tpu.wait_dma2 semaphore(%run_scoped3A : memref<!tpu.dma_semaphore, #tpu.memory_space<semaphore_mem>>) src(%dma_wait3A_23 : memref<640x128xf32, #tpu.memory_space<vmem_shared>>) dst(%dma_wait3A_21 : memref<640x128xf32, #tpu.memory_space<hbm>>)
      tpu.yield
    }) : () -> ()
    return
  }
}

#map = affine_map<(d0, d1) -> (0, 0, 0)>
#map1 = affine_map<(d0, d1) -> (0, 0)>
module attributes {stable_mosaic.version = 14 : i64} {
  func.func @_deg_sc(%arg0: i32, %arg1: i32, %arg2: memref<32x125x80xi32, #tpu.memory_space<hbm>>, %arg3: memref<10240x128xf32, #tpu.memory_space<hbm>>, %arg4: memref<20480x128xf32, #tpu.memory_space<hbm>>, %arg5: memref<125x80xi32, #tpu.memory_space<vmem>>, %arg6: memref<80x128xf32, #tpu.memory_space<vmem>>, %arg7: memref<10240x128xf32, #tpu.memory_space<vmem_shared>>) attributes {dimension_semantics = [#tpu.dimension_semantics<core_parallel>, #tpu.dimension_semantics<subcore_parallel>], iteration_bounds = array<i64: 2, 16>, scalar_prefetch = 0 : i64, scratch_operands = 3 : i64, tpu.core_type = #tpu.core_type<sc_vector_subcore>, window_params = [{transform_indices = #map}, {transform_indices = #map1}, {transform_indices = #map1}]} {
    %mul3A = arith.constant 16 : i32
    %mul3A_0 = arith.muli %arg0, %mul3A : i32
    %add3A = arith.addi %mul3A_0, %arg1 : i32
    %mul3A_1 = arith.constant 640 : i32
    %mul3A_2 = arith.muli %arg1, %mul3A_1 : i32
    %mul3A_3 = arith.constant 640 : i32
    %mul3A_4 = arith.muli %arg1, %mul3A_3 : i32
    "tpu.region"() ({
      %run_scoped3A = tpu.sem_alloc : memref<!tpu.dma_semaphore, #tpu.memory_space<semaphore_mem>>
      %dma_start3A = arith.constant 0 : i32
      %dma_start3A_24 = tpu.memref_slice %arg7[%mul3A_4, %dma_start3A] : memref<10240x128xf32, #tpu.memory_space<vmem_shared>> -> memref<640x128xf32, #tpu.memory_space<vmem_shared>>
      %dma_start3A_25 = arith.constant 0 : i32
      %dma_start3A_26 = tpu.memref_slice %arg3[%mul3A_2, %dma_start3A_25] : memref<10240x128xf32, #tpu.memory_space<hbm>> -> memref<640x128xf32, #tpu.memory_space<hbm>>
      tpu.enqueue_dma source(%dma_start3A_26 : memref<640x128xf32, #tpu.memory_space<hbm>>) target(%dma_start3A_24 : memref<640x128xf32, #tpu.memory_space<vmem_shared>>) target_semaphore(%run_scoped3A : memref<!tpu.dma_semaphore, #tpu.memory_space<semaphore_mem>>)
      %dma_wait3A = arith.constant 0 : i32
      %dma_wait3A_27 = tpu.memref_slice %arg7[%mul3A_4, %dma_wait3A] : memref<10240x128xf32, #tpu.memory_space<vmem_shared>> -> memref<640x128xf32, #tpu.memory_space<vmem_shared>>
      %dma_wait3A_28 = arith.constant 0 : i32
      %dma_wait3A_29 = tpu.memref_slice %arg3[%mul3A_2, %dma_wait3A_28] : memref<10240x128xf32, #tpu.memory_space<hbm>> -> memref<640x128xf32, #tpu.memory_space<hbm>>
      tpu.wait_dma2 semaphore(%run_scoped3A : memref<!tpu.dma_semaphore, #tpu.memory_space<semaphore_mem>>) src(%dma_wait3A_29 : memref<640x128xf32, #tpu.memory_space<hbm>>) dst(%dma_wait3A_27 : memref<640x128xf32, #tpu.memory_space<vmem_shared>>)
      tpu.yield
    }) : () -> ()
    "tpu.region"() ({
      %run_scoped3A = tpu.sem_alloc : memref<!tpu.dma_semaphore, #tpu.memory_space<semaphore_mem>>
      %dma_start3A = arith.constant 0 : i32
      %dma_start3A_24 = arith.constant 0 : i32
      %dma_start3A_25 = tpu.memref_slice %arg2[%add3A, %dma_start3A, %dma_start3A_24] : memref<32x125x80xi32, #tpu.memory_space<hbm>> -> memref<1x125x80xi32, #tpu.memory_space<hbm>>
      %dma_start3A_26 = tpu.memref_squeeze %dma_start3A_25 : memref<1x125x80xi32, #tpu.memory_space<hbm>> -> memref<125x80xi32, #tpu.memory_space<hbm>>
      %dma_start3A_27 = arith.constant 0 : i32
      %dma_start3A_28 = arith.constant 0 : i32
      %dma_start3A_29 = tpu.memref_slice %arg2[%add3A, %dma_start3A_27, %dma_start3A_28] : memref<32x125x80xi32, #tpu.memory_space<hbm>> -> memref<1x125x80xi32, #tpu.memory_space<hbm>>
      %dma_start3A_30 = tpu.memref_squeeze %dma_start3A_29 : memref<1x125x80xi32, #tpu.memory_space<hbm>> -> memref<125x80xi32, #tpu.memory_space<hbm>>
      tpu.enqueue_dma source(%dma_start3A_30 : memref<125x80xi32, #tpu.memory_space<hbm>>) target(%arg5 : memref<125x80xi32, #tpu.memory_space<vmem>>) target_semaphore(%run_scoped3A : memref<!tpu.dma_semaphore, #tpu.memory_space<semaphore_mem>>)
      %dma_wait3A = arith.constant 0 : i32
      %dma_wait3A_31 = arith.constant 0 : i32
      %dma_wait3A_32 = tpu.memref_slice %arg2[%add3A, %dma_wait3A, %dma_wait3A_31] : memref<32x125x80xi32, #tpu.memory_space<hbm>> -> memref<1x125x80xi32, #tpu.memory_space<hbm>>
      %dma_wait3A_33 = tpu.memref_squeeze %dma_wait3A_32 : memref<1x125x80xi32, #tpu.memory_space<hbm>> -> memref<125x80xi32, #tpu.memory_space<hbm>>
      %dma_wait3A_34 = arith.constant 0 : i32
      %dma_wait3A_35 = arith.constant 0 : i32
      %dma_wait3A_36 = tpu.memref_slice %arg2[%add3A, %dma_wait3A_34, %dma_wait3A_35] : memref<32x125x80xi32, #tpu.memory_space<hbm>> -> memref<1x125x80xi32, #tpu.memory_space<hbm>>
      %dma_wait3A_37 = tpu.memref_squeeze %dma_wait3A_36 : memref<1x125x80xi32, #tpu.memory_space<hbm>> -> memref<125x80xi32, #tpu.memory_space<hbm>>
      tpu.wait_dma2 semaphore(%run_scoped3A : memref<!tpu.dma_semaphore, #tpu.memory_space<semaphore_mem>>) src(%dma_wait3A_37 : memref<125x80xi32, #tpu.memory_space<hbm>>) dst(%arg5 : memref<125x80xi32, #tpu.memory_space<vmem>>)
      tpu.yield
    }) : () -> ()
    %scan3A = arith.constant 0 : i32
    %scan3A_5 = arith.constant 0 : i32
    %scan3A_6 = arith.constant 80 : i32
    %scan3A_7 = arith.addi %scan3A_5, %scan3A_6 : i32
    %scan3A_8 = arith.constant 1 : i32
    scf.for %scan3A_24 = %scan3A_5 to %scan3A_7 step %scan3A_8  : i32 {
      %broadcast_in_dim3A = arith.constant 1.000000e+00 : f32
      %broadcast_in_dim3A_25 = vector.broadcast %broadcast_in_dim3A : f32 to vector<16xf32>
      %swap3A = arith.index_cast %scan3A_24 : i32 to index
      %swap3A_26 = arith.constant 0 : index
      %swap3A_27 = tpu.vector_load %arg6[%swap3A, %swap3A_26] {strides = array<i32>} : memref<80x128xf32, #tpu.memory_space<vmem>>, vector<1x16xf32>,
      %swap3A_28 = vector.shape_cast %swap3A_27 : vector<1x16xf32> to vector<16xf32>
      %swap3A_29 = vector.shape_cast %broadcast_in_dim3A_25 : vector<16xf32> to vector<1x16xf32>
      tpu.vector_store %arg6[%swap3A, %swap3A_26], %swap3A_29 {strides = array<i32>} : memref<80x128xf32, #tpu.memory_space<vmem>>, vector<1x16xf32>,
      %broadcast_in_dim3A_30 = arith.constant 1.000000e+00 : f32
      %broadcast_in_dim3A_31 = vector.broadcast %broadcast_in_dim3A_30 : f32 to vector<16xf32>
      %swap3A_32 = arith.index_cast %scan3A_24 : i32 to index
      %swap3A_33 = arith.constant 16 : index
      %swap3A_34 = tpu.vector_load %arg6[%swap3A_32, %swap3A_33] {strides = array<i32>} : memref<80x128xf32, #tpu.memory_space<vmem>>, vector<1x16xf32>,
      %swap3A_35 = vector.shape_cast %swap3A_34 : vector<1x16xf32> to vector<16xf32>
      %swap3A_36 = vector.shape_cast %broadcast_in_dim3A_31 : vector<16xf32> to vector<1x16xf32>
      tpu.vector_store %arg6[%swap3A_32, %swap3A_33], %swap3A_36 {strides = array<i32>} : memref<80x128xf32, #tpu.memory_space<vmem>>, vector<1x16xf32>,
      %broadcast_in_dim3A_37 = arith.constant 1.000000e+00 : f32
      %broadcast_in_dim3A_38 = vector.broadcast %broadcast_in_dim3A_37 : f32 to vector<16xf32>
      %swap3A_39 = arith.index_cast %scan3A_24 : i32 to index
      %swap3A_40 = arith.constant 32 : index
      %swap3A_41 = tpu.vector_load %arg6[%swap3A_39, %swap3A_40] {strides = array<i32>} : memref<80x128xf32, #tpu.memory_space<vmem>>, vector<1x16xf32>,
      %swap3A_42 = vector.shape_cast %swap3A_41 : vector<1x16xf32> to vector<16xf32>
      %swap3A_43 = vector.shape_cast %broadcast_in_dim3A_38 : vector<16xf32> to vector<1x16xf32>
      tpu.vector_store %arg6[%swap3A_39, %swap3A_40], %swap3A_43 {strides = array<i32>} : memref<80x128xf32, #tpu.memory_space<vmem>>, vector<1x16xf32>,
      %broadcast_in_dim3A_44 = arith.constant 1.000000e+00 : f32
      %broadcast_in_dim3A_45 = vector.broadcast %broadcast_in_dim3A_44 : f32 to vector<16xf32>
      %swap3A_46 = arith.index_cast %scan3A_24 : i32 to index
      %swap3A_47 = arith.constant 48 : index
      %swap3A_48 = tpu.vector_load %arg6[%swap3A_46, %swap3A_47] {strides = array<i32>} : memref<80x128xf32, #tpu.memory_space<vmem>>, vector<1x16xf32>,
      %swap3A_49 = vector.shape_cast %swap3A_48 : vector<1x16xf32> to vector<16xf32>
      %swap3A_50 = vector.shape_cast %broadcast_in_dim3A_45 : vector<16xf32> to vector<1x16xf32>
      tpu.vector_store %arg6[%swap3A_46, %swap3A_47], %swap3A_50 {strides = array<i32>} : memref<80x128xf32, #tpu.memory_space<vmem>>, vector<1x16xf32>,
      %broadcast_in_dim3A_51 = arith.constant 1.000000e+00 : f32
      %broadcast_in_dim3A_52 = vector.broadcast %broadcast_in_dim3A_51 : f32 to vector<16xf32>
      %swap3A_53 = arith.index_cast %scan3A_24 : i32 to index
      %swap3A_54 = arith.constant 64 : index
      %swap3A_55 = tpu.vector_load %arg6[%swap3A_53, %swap3A_54] {strides = array<i32>} : memref<80x128xf32, #tpu.memory_space<vmem>>, vector<1x16xf32>,
      %swap3A_56 = vector.shape_cast %swap3A_55 : vector<1x16xf32> to vector<16xf32>
      %swap3A_57 = vector.shape_cast %broadcast_in_dim3A_52 : vector<16xf32> to vector<1x16xf32>
      tpu.vector_store %arg6[%swap3A_53, %swap3A_54], %swap3A_57 {strides = array<i32>} : memref<80x128xf32, #tpu.memory_space<vmem>>, vector<1x16xf32>,
      %broadcast_in_dim3A_58 = arith.constant 1.000000e+00 : f32
      %broadcast_in_dim3A_59 = vector.broadcast %broadcast_in_dim3A_58 : f32 to vector<16xf32>
      %swap3A_60 = arith.index_cast %scan3A_24 : i32 to index
      %swap3A_61 = arith.constant 80 : index
      %swap3A_62 = tpu.vector_load %arg6[%swap3A_60, %swap3A_61] {strides = array<i32>} : memref<80x128xf32, #tpu.memory_space<vmem>>, vector<1x16xf32>,
      %swap3A_63 = vector.shape_cast %swap3A_62 : vector<1x16xf32> to vector<16xf32>
      %swap3A_64 = vector.shape_cast %broadcast_in_dim3A_59 : vector<16xf32> to vector<1x16xf32>
      tpu.vector_store %arg6[%swap3A_60, %swap3A_61], %swap3A_64 {strides = array<i32>} : memref<80x128xf32, #tpu.memory_space<vmem>>, vector<1x16xf32>,
      %broadcast_in_dim3A_65 = arith.constant 1.000000e+00 : f32
      %broadcast_in_dim3A_66 = vector.broadcast %broadcast_in_dim3A_65 : f32 to vector<16xf32>
      %swap3A_67 = arith.index_cast %scan3A_24 : i32 to index
      %swap3A_68 = arith.constant 96 : index
      %swap3A_69 = tpu.vector_load %arg6[%swap3A_67, %swap3A_68] {strides = array<i32>} : memref<80x128xf32, #tpu.memory_space<vmem>>, vector<1x16xf32>,
      %swap3A_70 = vector.shape_cast %swap3A_69 : vector<1x16xf32> to vector<16xf32>
      %swap3A_71 = vector.shape_cast %broadcast_in_dim3A_66 : vector<16xf32> to vector<1x16xf32>
      tpu.vector_store %arg6[%swap3A_67, %swap3A_68], %swap3A_71 {strides = array<i32>} : memref<80x128xf32, #tpu.memory_space<vmem>>, vector<1x16xf32>,
      %broadcast_in_dim3A_72 = arith.constant 1.000000e+00 : f32
      %broadcast_in_dim3A_73 = vector.broadcast %broadcast_in_dim3A_72 : f32 to vector<16xf32>
      %swap3A_74 = arith.index_cast %scan3A_24 : i32 to index
      %swap3A_75 = arith.constant 112 : index
      %swap3A_76 = tpu.vector_load %arg6[%swap3A_74, %swap3A_75] {strides = array<i32>} : memref<80x128xf32, #tpu.memory_space<vmem>>, vector<1x16xf32>,
      %swap3A_77 = vector.shape_cast %swap3A_76 : vector<1x16xf32> to vector<16xf32>
      %swap3A_78 = vector.shape_cast %broadcast_in_dim3A_73 : vector<16xf32> to vector<1x16xf32>
      tpu.vector_store %arg6[%swap3A_74, %swap3A_75], %swap3A_78 {strides = array<i32>} : memref<80x128xf32, #tpu.memory_space<vmem>>, vector<1x16xf32>,
    }
    %scan3A_9 = arith.constant 80 : i32
    %barrier3A = arith.constant 0 : index
    tpu.barrier barrier_id(%barrier3A)
    %scan3A_10 = arith.constant 0 : i32
    %scan3A_11 = arith.constant 0 : i32
    %scan3A_12 = arith.constant 125 : i32
    %scan3A_13 = arith.addi %scan3A_11, %scan3A_12 : i32
    %scan3A_14 = arith.constant 1 : i32
    scf.for %scan3A_24 = %scan3A_11 to %scan3A_13 step %scan3A_14  : i32 {
      "tpu.region"() ({
        %run_scoped3A = tpu.sem_alloc : memref<!tpu.dma_semaphore, #tpu.memory_space<semaphore_mem>>
        %dma_start3A = arith.constant 0 : i32
        %dma_start3A_25 = tpu.memref_slice %arg5[%scan3A_24, %dma_start3A] : memref<125x80xi32, #tpu.memory_space<vmem>> -> memref<1x80xi32, #tpu.memory_space<vmem>>
        %dma_start3A_26 = tpu.memref_squeeze %dma_start3A_25 : memref<1x80xi32, #tpu.memory_space<vmem>> -> memref<80xi32, #tpu.memory_space<vmem>>
        %dma_start3A_27 = arith.constant 0 : i32
        %dma_start3A_28 = arith.constant 0 : i32
        %dma_start3A_29 = tpu.memref_slice %arg7[%dma_start3A_27, %dma_start3A_28] : memref<10240x128xf32, #tpu.memory_space<vmem_shared>> -> memref<10240x128xf32, #tpu.memory_space<vmem_shared>>
        tpu.enqueue_indirect_dma source(%arg6 : memref<80x128xf32, #tpu.memory_space<vmem>>) target(%dma_start3A_29 : memref<10240x128xf32, #tpu.memory_space<vmem_shared>>) offsets(%dma_start3A_26 : memref<80xi32, #tpu.memory_space<vmem>>) semaphore(%run_scoped3A : memref<!tpu.dma_semaphore, #tpu.memory_space<semaphore_mem>>) {add = true}
        %dma_wait3A = arith.constant 0 : i32
        %dma_wait3A_30 = tpu.memref_slice %arg5[%scan3A_24, %dma_wait3A] : memref<125x80xi32, #tpu.memory_space<vmem>> -> memref<1x80xi32, #tpu.memory_space<vmem>>
        %dma_wait3A_31 = tpu.memref_squeeze %dma_wait3A_30 : memref<1x80xi32, #tpu.memory_space<vmem>> -> memref<80xi32, #tpu.memory_space<vmem>>
        %dma_wait3A_32 = arith.constant 0 : i32
        %dma_wait3A_33 = arith.constant 0 : i32
        %dma_wait3A_34 = tpu.memref_slice %arg7[%dma_wait3A_32, %dma_wait3A_33] : memref<10240x128xf32, #tpu.memory_space<vmem_shared>> -> memref<10240x128xf32, #tpu.memory_space<vmem_shared>>
        tpu.wait_indirect_dma semaphore(%run_scoped3A : memref<!tpu.dma_semaphore, #tpu.memory_space<semaphore_mem>>) src(%arg6 : memref<80x128xf32, #tpu.memory_space<vmem>>) dst(%dma_wait3A_34 : memref<10240x128xf32, #tpu.memory_space<vmem_shared>>)
        tpu.yield
      }) : () -> ()
    }
    %scan3A_15 = arith.constant 125 : i32
    %barrier3A_16 = arith.constant 0 : index
    tpu.barrier barrier_id(%barrier3A_16)
    %mul3A_17 = arith.constant 640 : i32
    %mul3A_18 = arith.muli %arg1, %mul3A_17 : i32
    %mul3A_19 = arith.constant 10240 : i32
    %mul3A_20 = arith.muli %arg0, %mul3A_19 : i32
    %mul3A_21 = arith.constant 640 : i32
    %mul3A_22 = arith.muli %arg1, %mul3A_21 : i32
    %add3A_23 = arith.addi %mul3A_20, %mul3A_22 : i32
    "tpu.region"() ({
      %run_scoped3A = tpu.sem_alloc : memref<!tpu.dma_semaphore, #tpu.memory_space<semaphore_mem>>
      %dma_start3A = arith.constant 0 : i32
      %dma_start3A_24 = tpu.memref_slice %arg4[%add3A_23, %dma_start3A] : memref<20480x128xf32, #tpu.memory_space<hbm>> -> memref<640x128xf32, #tpu.memory_space<hbm>>
      %dma_start3A_25 = arith.constant 0 : i32
      %dma_start3A_26 = tpu.memref_slice %arg7[%mul3A_18, %dma_start3A_25] : memref<10240x128xf32, #tpu.memory_space<vmem_shared>> -> memref<640x128xf32, #tpu.memory_space<vmem_shared>>
      tpu.enqueue_dma source(%dma_start3A_26 : memref<640x128xf32, #tpu.memory_space<vmem_shared>>) target(%dma_start3A_24 : memref<640x128xf32, #tpu.memory_space<hbm>>) target_semaphore(%run_scoped3A : memref<!tpu.dma_semaphore, #tpu.memory_space<semaphore_mem>>)
      %dma_wait3A = arith.constant 0 : i32
      %dma_wait3A_27 = tpu.memref_slice %arg4[%add3A_23, %dma_wait3A] : memref<20480x128xf32, #tpu.memory_space<hbm>> -> memref<640x128xf32, #tpu.memory_space<hbm>>
      %dma_wait3A_28 = arith.constant 0 : i32
      %dma_wait3A_29 = tpu.memref_slice %arg7[%mul3A_18, %dma_wait3A_28] : memref<10240x128xf32, #tpu.memory_space<vmem_shared>> -> memref<640x128xf32, #tpu.memory_space<vmem_shared>>
      tpu.wait_dma2 semaphore(%run_scoped3A : memref<!tpu.dma_semaphore, #tpu.memory_space<semaphore_mem>>) src(%dma_wait3A_29 : memref<640x128xf32, #tpu.memory_space<vmem_shared>>) dst(%dma_wait3A_27 : memref<640x128xf32, #tpu.memory_space<hbm>>)
      tpu.yield
    }) : () -> ()
    return
  }
}

#map = affine_map<(d0, d1) -> (0, 0)>
#map1 = affine_map<(d0, d1) -> (0, 0, 0)>
module attributes {stable_mosaic.version = 14 : i64} {
  func.func @_segsum_sc(%arg0: i32, %arg1: i32, %arg2: memref<10000x128xf32, #tpu.memory_space<hbm>>, %arg3: memref<32x125x80xi32, #tpu.memory_space<hbm>>, %arg4: memref<32x125x80xi32, #tpu.memory_space<hbm>>, %arg5: memref<10240x128xf32, #tpu.memory_space<hbm>>, %arg6: memref<20480x128xf32, #tpu.memory_space<hbm>>, %arg7: memref<125x80xi32, #tpu.memory_space<vmem>>, %arg8: memref<125x80xi32, #tpu.memory_space<vmem>>, %arg9: memref<80x128xf32, #tpu.memory_space<vmem>>, %arg10: memref<10240x128xf32, #tpu.memory_space<vmem_shared>>, %arg11: memref<!tpu.dma_semaphore, #tpu.memory_space<semaphore_mem>>) attributes {dimension_semantics = [#tpu.dimension_semantics<core_parallel>, #tpu.dimension_semantics<subcore_parallel>], iteration_bounds = array<i64: 2, 16>, scalar_prefetch = 0 : i64, scratch_operands = 5 : i64, tpu.core_type = #tpu.core_type<sc_vector_subcore>, window_params = [{transform_indices = #map}, {transform_indices = #map1}, {transform_indices = #map1}, {transform_indices = #map}, {transform_indices = #map}]} {
    %mul3A = arith.constant 16 : i32
    %mul3A_0 = arith.muli %arg0, %mul3A : i32
    %add3A = arith.addi %mul3A_0, %arg1 : i32
    %mul3A_1 = arith.constant 640 : i32
    %mul3A_2 = arith.muli %arg1, %mul3A_1 : i32
    %mul3A_3 = arith.constant 640 : i32
    %mul3A_4 = arith.muli %arg1, %mul3A_3 : i32
    "tpu.region"() ({
      %run_scoped3A = tpu.sem_alloc : memref<!tpu.dma_semaphore, #tpu.memory_space<semaphore_mem>>
      %dma_start3A = arith.constant 0 : i32
      %dma_start3A_18 = tpu.memref_slice %arg10[%mul3A_4, %dma_start3A] : memref<10240x128xf32, #tpu.memory_space<vmem_shared>> -> memref<640x128xf32, #tpu.memory_space<vmem_shared>>
      %dma_start3A_19 = arith.constant 0 : i32
      %dma_start3A_20 = tpu.memref_slice %arg5[%mul3A_2, %dma_start3A_19] : memref<10240x128xf32, #tpu.memory_space<hbm>> -> memref<640x128xf32, #tpu.memory_space<hbm>>
      tpu.enqueue_dma source(%dma_start3A_20 : memref<640x128xf32, #tpu.memory_space<hbm>>) target(%dma_start3A_18 : memref<640x128xf32, #tpu.memory_space<vmem_shared>>) target_semaphore(%run_scoped3A : memref<!tpu.dma_semaphore, #tpu.memory_space<semaphore_mem>>)
      %dma_wait3A = arith.constant 0 : i32
      %dma_wait3A_21 = tpu.memref_slice %arg10[%mul3A_4, %dma_wait3A] : memref<10240x128xf32, #tpu.memory_space<vmem_shared>> -> memref<640x128xf32, #tpu.memory_space<vmem_shared>>
      %dma_wait3A_22 = arith.constant 0 : i32
      %dma_wait3A_23 = tpu.memref_slice %arg5[%mul3A_2, %dma_wait3A_22] : memref<10240x128xf32, #tpu.memory_space<hbm>> -> memref<640x128xf32, #tpu.memory_space<hbm>>
      tpu.wait_dma2 semaphore(%run_scoped3A : memref<!tpu.dma_semaphore, #tpu.memory_space<semaphore_mem>>) src(%dma_wait3A_23 : memref<640x128xf32, #tpu.memory_space<hbm>>) dst(%dma_wait3A_21 : memref<640x128xf32, #tpu.memory_space<vmem_shared>>)
      tpu.yield
    }) : () -> ()
    "tpu.region"() ({
      %run_scoped3A = tpu.sem_alloc : memref<!tpu.dma_semaphore, #tpu.memory_space<semaphore_mem>>
      %dma_start3A = arith.constant 0 : i32
      %dma_start3A_18 = arith.constant 0 : i32
      %dma_start3A_19 = tpu.memref_slice %arg3[%add3A, %dma_start3A, %dma_start3A_18] : memref<32x125x80xi32, #tpu.memory_space<hbm>> -> memref<1x125x80xi32, #tpu.memory_space<hbm>>
      %dma_start3A_20 = tpu.memref_squeeze %dma_start3A_19 : memref<1x125x80xi32, #tpu.memory_space<hbm>> -> memref<125x80xi32, #tpu.memory_space<hbm>>
      %dma_start3A_21 = arith.constant 0 : i32
      %dma_start3A_22 = arith.constant 0 : i32
      %dma_start3A_23 = tpu.memref_slice %arg3[%add3A, %dma_start3A_21, %dma_start3A_22] : memref<32x125x80xi32, #tpu.memory_space<hbm>> -> memref<1x125x80xi32, #tpu.memory_space<hbm>>
      %dma_start3A_24 = tpu.memref_squeeze %dma_start3A_23 : memref<1x125x80xi32, #tpu.memory_space<hbm>> -> memref<125x80xi32, #tpu.memory_space<hbm>>
      tpu.enqueue_dma source(%dma_start3A_24 : memref<125x80xi32, #tpu.memory_space<hbm>>) target(%arg7 : memref<125x80xi32, #tpu.memory_space<vmem>>) target_semaphore(%run_scoped3A : memref<!tpu.dma_semaphore, #tpu.memory_space<semaphore_mem>>)
      %dma_wait3A = arith.constant 0 : i32
      %dma_wait3A_25 = arith.constant 0 : i32
      %dma_wait3A_26 = tpu.memref_slice %arg3[%add3A, %dma_wait3A, %dma_wait3A_25] : memref<32x125x80xi32, #tpu.memory_space<hbm>> -> memref<1x125x80xi32, #tpu.memory_space<hbm>>
      %dma_wait3A_27 = tpu.memref_squeeze %dma_wait3A_26 : memref<1x125x80xi32, #tpu.memory_space<hbm>> -> memref<125x80xi32, #tpu.memory_space<hbm>>
      %dma_wait3A_28 = arith.constant 0 : i32
      %dma_wait3A_29 = arith.constant 0 : i32
      %dma_wait3A_30 = tpu.memref_slice %arg3[%add3A, %dma_wait3A_28, %dma_wait3A_29] : memref<32x125x80xi32, #tpu.memory_space<hbm>> -> memref<1x125x80xi32, #tpu.memory_space<hbm>>
      %dma_wait3A_31 = tpu.memref_squeeze %dma_wait3A_30 : memref<1x125x80xi32, #tpu.memory_space<hbm>> -> memref<125x80xi32, #tpu.memory_space<hbm>>
      tpu.wait_dma2 semaphore(%run_scoped3A : memref<!tpu.dma_semaphore, #tpu.memory_space<semaphore_mem>>) src(%dma_wait3A_31 : memref<125x80xi32, #tpu.memory_space<hbm>>) dst(%arg7 : memref<125x80xi32, #tpu.memory_space<vmem>>)
      tpu.yield
    }) : () -> ()
    "tpu.region"() ({
      %run_scoped3A = tpu.sem_alloc : memref<!tpu.dma_semaphore, #tpu.memory_space<semaphore_mem>>
      %dma_start3A = arith.constant 0 : i32
      %dma_start3A_18 = arith.constant 0 : i32
      %dma_start3A_19 = tpu.memref_slice %arg4[%add3A, %dma_start3A, %dma_start3A_18] : memref<32x125x80xi32, #tpu.memory_space<hbm>> -> memref<1x125x80xi32, #tpu.memory_space<hbm>>
      %dma_start3A_20 = tpu.memref_squeeze %dma_start3A_19 : memref<1x125x80xi32, #tpu.memory_space<hbm>> -> memref<125x80xi32, #tpu.memory_space<hbm>>
      %dma_start3A_21 = arith.constant 0 : i32
      %dma_start3A_22 = arith.constant 0 : i32
      %dma_start3A_23 = tpu.memref_slice %arg4[%add3A, %dma_start3A_21, %dma_start3A_22] : memref<32x125x80xi32, #tpu.memory_space<hbm>> -> memref<1x125x80xi32, #tpu.memory_space<hbm>>
      %dma_start3A_24 = tpu.memref_squeeze %dma_start3A_23 : memref<1x125x80xi32, #tpu.memory_space<hbm>> -> memref<125x80xi32, #tpu.memory_space<hbm>>
      tpu.enqueue_dma source(%dma_start3A_24 : memref<125x80xi32, #tpu.memory_space<hbm>>) target(%arg8 : memref<125x80xi32, #tpu.memory_space<vmem>>) target_semaphore(%run_scoped3A : memref<!tpu.dma_semaphore, #tpu.memory_space<semaphore_mem>>)
      %dma_wait3A = arith.constant 0 : i32
      %dma_wait3A_25 = arith.constant 0 : i32
      %dma_wait3A_26 = tpu.memref_slice %arg4[%add3A, %dma_wait3A, %dma_wait3A_25] : memref<32x125x80xi32, #tpu.memory_space<hbm>> -> memref<1x125x80xi32, #tpu.memory_space<hbm>>
      %dma_wait3A_27 = tpu.memref_squeeze %dma_wait3A_26 : memref<1x125x80xi32, #tpu.memory_space<hbm>> -> memref<125x80xi32, #tpu.memory_space<hbm>>
      %dma_wait3A_28 = arith.constant 0 : i32
      %dma_wait3A_29 = arith.constant 0 : i32
      %dma_wait3A_30 = tpu.memref_slice %arg4[%add3A, %dma_wait3A_28, %dma_wait3A_29] : memref<32x125x80xi32, #tpu.memory_space<hbm>> -> memref<1x125x80xi32, #tpu.memory_space<hbm>>
      %dma_wait3A_31 = tpu.memref_squeeze %dma_wait3A_30 : memref<1x125x80xi32, #tpu.memory_space<hbm>> -> memref<125x80xi32, #tpu.memory_space<hbm>>
      tpu.wait_dma2 semaphore(%run_scoped3A : memref<!tpu.dma_semaphore, #tpu.memory_space<semaphore_mem>>) src(%dma_wait3A_31 : memref<125x80xi32, #tpu.memory_space<hbm>>) dst(%arg8 : memref<125x80xi32, #tpu.memory_space<vmem>>)
      tpu.yield
    }) : () -> ()
    %barrier3A = arith.constant 0 : index
    tpu.barrier barrier_id(%barrier3A)
    %scan3A = arith.constant 0 : i32
    %scan3A_5 = arith.constant 0 : i32
    %scan3A_6 = arith.constant 125 : i32
    %scan3A_7 = arith.addi %scan3A_5, %scan3A_6 : i32
    %scan3A_8 = arith.constant 1 : i32
    scf.for %scan3A_18 = %scan3A_5 to %scan3A_7 step %scan3A_8  : i32 {
      %dma_start3A = arith.constant 0 : i32
      %dma_start3A_19 = tpu.memref_slice %arg7[%scan3A_18, %dma_start3A] : memref<125x80xi32, #tpu.memory_space<vmem>> -> memref<1x80xi32, #tpu.memory_space<vmem>>
      %dma_start3A_20 = tpu.memref_squeeze %dma_start3A_19 : memref<1x80xi32, #tpu.memory_space<vmem>> -> memref<80xi32, #tpu.memory_space<vmem>>
      %dma_start3A_21 = arith.constant 0 : i32
      %dma_start3A_22 = arith.constant 0 : i32
      %dma_start3A_23 = tpu.memref_slice %arg2[%dma_start3A_21, %dma_start3A_22] : memref<10000x128xf32, #tpu.memory_space<hbm>> -> memref<10000x128xf32, #tpu.memory_space<hbm>>
      tpu.enqueue_indirect_dma source(%dma_start3A_23 : memref<10000x128xf32, #tpu.memory_space<hbm>>) target(%arg9 : memref<80x128xf32, #tpu.memory_space<vmem>>) offsets(%dma_start3A_20 : memref<80xi32, #tpu.memory_space<vmem>>) semaphore(%arg11 : memref<!tpu.dma_semaphore, #tpu.memory_space<semaphore_mem>>)
      %dma_wait3A = arith.constant 0 : i32
      %dma_wait3A_24 = tpu.memref_slice %arg7[%scan3A_18, %dma_wait3A] : memref<125x80xi32, #tpu.memory_space<vmem>> -> memref<1x80xi32, #tpu.memory_space<vmem>>
      %dma_wait3A_25 = tpu.memref_squeeze %dma_wait3A_24 : memref<1x80xi32, #tpu.memory_space<vmem>> -> memref<80xi32, #tpu.memory_space<vmem>>
      %dma_wait3A_26 = arith.constant 0 : i32
      %dma_wait3A_27 = arith.constant 0 : i32
      %dma_wait3A_28 = tpu.memref_slice %arg2[%dma_wait3A_26, %dma_wait3A_27] : memref<10000x128xf32, #tpu.memory_space<hbm>> -> memref<10000x128xf32, #tpu.memory_space<hbm>>
      tpu.wait_indirect_dma semaphore(%arg11 : memref<!tpu.dma_semaphore, #tpu.memory_space<semaphore_mem>>) src(%dma_wait3A_28 : memref<10000x128xf32, #tpu.memory_space<hbm>>) dst(%arg9 : memref<80x128xf32, #tpu.memory_space<vmem>>)
      "tpu.region"() ({
        %run_scoped3A = tpu.sem_alloc : memref<!tpu.dma_semaphore, #tpu.memory_space<semaphore_mem>>
        %dma_start3A_29 = arith.constant 0 : i32
        %dma_start3A_30 = tpu.memref_slice %arg8[%scan3A_18, %dma_start3A_29] : memref<125x80xi32, #tpu.memory_space<vmem>> -> memref<1x80xi32, #tpu.memory_space<vmem>>
        %dma_start3A_31 = tpu.memref_squeeze %dma_start3A_30 : memref<1x80xi32, #tpu.memory_space<vmem>> -> memref<80xi32, #tpu.memory_space<vmem>>
        %dma_start3A_32 = arith.constant 0 : i32
        %dma_start3A_33 = arith.constant 0 : i32
        %dma_start3A_34 = tpu.memref_slice %arg10[%dma_start3A_32, %dma_start3A_33] : memref<10240x128xf32, #tpu.memory_space<vmem_shared>> -> memref<10240x128xf32, #tpu.memory_space<vmem_shared>>
        tpu.enqueue_indirect_dma source(%arg9 : memref<80x128xf32, #tpu.memory_space<vmem>>) target(%dma_start3A_34 : memref<10240x128xf32, #tpu.memory_space<vmem_shared>>) offsets(%dma_start3A_31 : memref<80xi32, #tpu.memory_space<vmem>>) semaphore(%run_scoped3A : memref<!tpu.dma_semaphore, #tpu.memory_space<semaphore_mem>>) {add = true}
        %dma_wait3A_35 = arith.constant 0 : i32
        %dma_wait3A_36 = tpu.memref_slice %arg8[%scan3A_18, %dma_wait3A_35] : memref<125x80xi32, #tpu.memory_space<vmem>> -> memref<1x80xi32, #tpu.memory_space<vmem>>
        %dma_wait3A_37 = tpu.memref_squeeze %dma_wait3A_36 : memref<1x80xi32, #tpu.memory_space<vmem>> -> memref<80xi32, #tpu.memory_space<vmem>>
        %dma_wait3A_38 = arith.constant 0 : i32
        %dma_wait3A_39 = arith.constant 0 : i32
        %dma_wait3A_40 = tpu.memref_slice %arg10[%dma_wait3A_38, %dma_wait3A_39] : memref<10240x128xf32, #tpu.memory_space<vmem_shared>> -> memref<10240x128xf32, #tpu.memory_space<vmem_shared>>
        tpu.wait_indirect_dma semaphore(%run_scoped3A : memref<!tpu.dma_semaphore, #tpu.memory_space<semaphore_mem>>) src(%arg9 : memref<80x128xf32, #tpu.memory_space<vmem>>) dst(%dma_wait3A_40 : memref<10240x128xf32, #tpu.memory_space<vmem_shared>>)
        tpu.yield
      }) : () -> ()
    }
    %scan3A_9 = arith.constant 125 : i32
    %barrier3A_10 = arith.constant 0 : index
    tpu.barrier barrier_id(%barrier3A_10)
    %mul3A_11 = arith.constant 640 : i32
    %mul3A_12 = arith.muli %arg1, %mul3A_11 : i32
    %mul3A_13 = arith.constant 10240 : i32
    %mul3A_14 = arith.muli %arg0, %mul3A_13 : i32
    %mul3A_15 = arith.constant 640 : i32
    %mul3A_16 = arith.muli %arg1, %mul3A_15 : i32
    %add3A_17 = arith.addi %mul3A_14, %mul3A_16 : i32
    "tpu.region"() ({
      %run_scoped3A = tpu.sem_alloc : memref<!tpu.dma_semaphore, #tpu.memory_space<semaphore_mem>>
      %dma_start3A = arith.constant 0 : i32
      %dma_start3A_18 = tpu.memref_slice %arg6[%add3A_17, %dma_start3A] : memref<20480x128xf32, #tpu.memory_space<hbm>> -> memref<640x128xf32, #tpu.memory_space<hbm>>
      %dma_start3A_19 = arith.constant 0 : i32
      %dma_start3A_20 = tpu.memref_slice %arg10[%mul3A_12, %dma_start3A_19] : memref<10240x128xf32, #tpu.memory_space<vmem_shared>> -> memref<640x128xf32, #tpu.memory_space<vmem_shared>>
      tpu.enqueue_dma source(%dma_start3A_20 : memref<640x128xf32, #tpu.memory_space<vmem_shared>>) target(%dma_start3A_18 : memref<640x128xf32, #tpu.memory_space<hbm>>) target_semaphore(%run_scoped3A : memref<!tpu.dma_semaphore, #tpu.memory_space<semaphore_mem>>)
      %dma_wait3A = arith.constant 0 : i32
      %dma_wait3A_21 = tpu.memref_slice %arg6[%add3A_17, %dma_wait3A] : memref<20480x128xf32, #tpu.memory_space<hbm>> -> memref<640x128xf32, #tpu.memory_space<hbm>>
      %dma_wait3A_22 = arith.constant 0 : i32
      %dma_wait3A_23 = tpu.memref_slice %arg10[%mul3A_12, %dma_wait3A_22] : memref<10240x128xf32, #tpu.memory_space<vmem_shared>> -> memref<640x128xf32, #tpu.memory_space<vmem_shared>>
      tpu.wait_dma2 semaphore(%run_scoped3A : memref<!tpu.dma_semaphore, #tpu.memory_space<semaphore_mem>>) src(%dma_wait3A_23 : memref<640x128xf32, #tpu.memory_space<vmem_shared>>) dst(%dma_wait3A_21 : memref<640x128xf32, #tpu.memory_space<hbm>>)
      tpu.yield
    }) : () -> ()
    return
  }
}

#map = affine_map<(d0, d1) -> (0, 0)>
#map1 = affine_map<(d0, d1) -> (0, 0, 0)>
module attributes {stable_mosaic.version = 14 : i64} {
  func.func @_segsum_sc(%arg0: i32, %arg1: i32, %arg2: memref<10000x128xf32, #tpu.memory_space<hbm>>, %arg3: memref<32x125x80xi32, #tpu.memory_space<hbm>>, %arg4: memref<32x125x80xi32, #tpu.memory_space<hbm>>, %arg5: memref<10240x128xf32, #tpu.memory_space<hbm>>, %arg6: memref<20480x128xf32, #tpu.memory_space<hbm>>, %arg7: memref<125x80xi32, #tpu.memory_space<vmem>>, %arg8: memref<125x80xi32, #tpu.memory_space<vmem>>, %arg9: memref<80x128xf32, #tpu.memory_space<vmem>>, %arg10: memref<10240x128xf32, #tpu.memory_space<vmem_shared>>, %arg11: memref<!tpu.dma_semaphore, #tpu.memory_space<semaphore_mem>>) attributes {dimension_semantics = [#tpu.dimension_semantics<core_parallel>, #tpu.dimension_semantics<subcore_parallel>], iteration_bounds = array<i64: 2, 16>, scalar_prefetch = 0 : i64, scratch_operands = 5 : i64, tpu.core_type = #tpu.core_type<sc_vector_subcore>, window_params = [{transform_indices = #map}, {transform_indices = #map1}, {transform_indices = #map1}, {transform_indices = #map}, {transform_indices = #map}]} {
    %mul3A = arith.constant 16 : i32
    %mul3A_0 = arith.muli %arg0, %mul3A : i32
    %add3A = arith.addi %mul3A_0, %arg1 : i32
    %mul3A_1 = arith.constant 640 : i32
    %mul3A_2 = arith.muli %arg1, %mul3A_1 : i32
    %mul3A_3 = arith.constant 640 : i32
    %mul3A_4 = arith.muli %arg1, %mul3A_3 : i32
    "tpu.region"() ({
      %run_scoped3A = tpu.sem_alloc : memref<!tpu.dma_semaphore, #tpu.memory_space<semaphore_mem>>
      %dma_start3A = arith.constant 0 : i32
      %dma_start3A_18 = tpu.memref_slice %arg10[%mul3A_4, %dma_start3A] : memref<10240x128xf32, #tpu.memory_space<vmem_shared>> -> memref<640x128xf32, #tpu.memory_space<vmem_shared>>
      %dma_start3A_19 = arith.constant 0 : i32
      %dma_start3A_20 = tpu.memref_slice %arg5[%mul3A_2, %dma_start3A_19] : memref<10240x128xf32, #tpu.memory_space<hbm>> -> memref<640x128xf32, #tpu.memory_space<hbm>>
      tpu.enqueue_dma source(%dma_start3A_20 : memref<640x128xf32, #tpu.memory_space<hbm>>) target(%dma_start3A_18 : memref<640x128xf32, #tpu.memory_space<vmem_shared>>) target_semaphore(%run_scoped3A : memref<!tpu.dma_semaphore, #tpu.memory_space<semaphore_mem>>)
      %dma_wait3A = arith.constant 0 : i32
      %dma_wait3A_21 = tpu.memref_slice %arg10[%mul3A_4, %dma_wait3A] : memref<10240x128xf32, #tpu.memory_space<vmem_shared>> -> memref<640x128xf32, #tpu.memory_space<vmem_shared>>
      %dma_wait3A_22 = arith.constant 0 : i32
      %dma_wait3A_23 = tpu.memref_slice %arg5[%mul3A_2, %dma_wait3A_22] : memref<10240x128xf32, #tpu.memory_space<hbm>> -> memref<640x128xf32, #tpu.memory_space<hbm>>
      tpu.wait_dma2 semaphore(%run_scoped3A : memref<!tpu.dma_semaphore, #tpu.memory_space<semaphore_mem>>) src(%dma_wait3A_23 : memref<640x128xf32, #tpu.memory_space<hbm>>) dst(%dma_wait3A_21 : memref<640x128xf32, #tpu.memory_space<vmem_shared>>)
      tpu.yield
    }) : () -> ()
    "tpu.region"() ({
      %run_scoped3A = tpu.sem_alloc : memref<!tpu.dma_semaphore, #tpu.memory_space<semaphore_mem>>
      %dma_start3A = arith.constant 0 : i32
      %dma_start3A_18 = arith.constant 0 : i32
      %dma_start3A_19 = tpu.memref_slice %arg3[%add3A, %dma_start3A, %dma_start3A_18] : memref<32x125x80xi32, #tpu.memory_space<hbm>> -> memref<1x125x80xi32, #tpu.memory_space<hbm>>
      %dma_start3A_20 = tpu.memref_squeeze %dma_start3A_19 : memref<1x125x80xi32, #tpu.memory_space<hbm>> -> memref<125x80xi32, #tpu.memory_space<hbm>>
      %dma_start3A_21 = arith.constant 0 : i32
      %dma_start3A_22 = arith.constant 0 : i32
      %dma_start3A_23 = tpu.memref_slice %arg3[%add3A, %dma_start3A_21, %dma_start3A_22] : memref<32x125x80xi32, #tpu.memory_space<hbm>> -> memref<1x125x80xi32, #tpu.memory_space<hbm>>
      %dma_start3A_24 = tpu.memref_squeeze %dma_start3A_23 : memref<1x125x80xi32, #tpu.memory_space<hbm>> -> memref<125x80xi32, #tpu.memory_space<hbm>>
      tpu.enqueue_dma source(%dma_start3A_24 : memref<125x80xi32, #tpu.memory_space<hbm>>) target(%arg7 : memref<125x80xi32, #tpu.memory_space<vmem>>) target_semaphore(%run_scoped3A : memref<!tpu.dma_semaphore, #tpu.memory_space<semaphore_mem>>)
      %dma_wait3A = arith.constant 0 : i32
      %dma_wait3A_25 = arith.constant 0 : i32
      %dma_wait3A_26 = tpu.memref_slice %arg3[%add3A, %dma_wait3A, %dma_wait3A_25] : memref<32x125x80xi32, #tpu.memory_space<hbm>> -> memref<1x125x80xi32, #tpu.memory_space<hbm>>
      %dma_wait3A_27 = tpu.memref_squeeze %dma_wait3A_26 : memref<1x125x80xi32, #tpu.memory_space<hbm>> -> memref<125x80xi32, #tpu.memory_space<hbm>>
      %dma_wait3A_28 = arith.constant 0 : i32
      %dma_wait3A_29 = arith.constant 0 : i32
      %dma_wait3A_30 = tpu.memref_slice %arg3[%add3A, %dma_wait3A_28, %dma_wait3A_29] : memref<32x125x80xi32, #tpu.memory_space<hbm>> -> memref<1x125x80xi32, #tpu.memory_space<hbm>>
      %dma_wait3A_31 = tpu.memref_squeeze %dma_wait3A_30 : memref<1x125x80xi32, #tpu.memory_space<hbm>> -> memref<125x80xi32, #tpu.memory_space<hbm>>
      tpu.wait_dma2 semaphore(%run_scoped3A : memref<!tpu.dma_semaphore, #tpu.memory_space<semaphore_mem>>) src(%dma_wait3A_31 : memref<125x80xi32, #tpu.memory_space<hbm>>) dst(%arg7 : memref<125x80xi32, #tpu.memory_space<vmem>>)
      tpu.yield
    }) : () -> ()
    "tpu.region"() ({
      %run_scoped3A = tpu.sem_alloc : memref<!tpu.dma_semaphore, #tpu.memory_space<semaphore_mem>>
      %dma_start3A = arith.constant 0 : i32
      %dma_start3A_18 = arith.constant 0 : i32
      %dma_start3A_19 = tpu.memref_slice %arg4[%add3A, %dma_start3A, %dma_start3A_18] : memref<32x125x80xi32, #tpu.memory_space<hbm>> -> memref<1x125x80xi32, #tpu.memory_space<hbm>>
      %dma_start3A_20 = tpu.memref_squeeze %dma_start3A_19 : memref<1x125x80xi32, #tpu.memory_space<hbm>> -> memref<125x80xi32, #tpu.memory_space<hbm>>
      %dma_start3A_21 = arith.constant 0 : i32
      %dma_start3A_22 = arith.constant 0 : i32
      %dma_start3A_23 = tpu.memref_slice %arg4[%add3A, %dma_start3A_21, %dma_start3A_22] : memref<32x125x80xi32, #tpu.memory_space<hbm>> -> memref<1x125x80xi32, #tpu.memory_space<hbm>>
      %dma_start3A_24 = tpu.memref_squeeze %dma_start3A_23 : memref<1x125x80xi32, #tpu.memory_space<hbm>> -> memref<125x80xi32, #tpu.memory_space<hbm>>
      tpu.enqueue_dma source(%dma_start3A_24 : memref<125x80xi32, #tpu.memory_space<hbm>>) target(%arg8 : memref<125x80xi32, #tpu.memory_space<vmem>>) target_semaphore(%run_scoped3A : memref<!tpu.dma_semaphore, #tpu.memory_space<semaphore_mem>>)
      %dma_wait3A = arith.constant 0 : i32
      %dma_wait3A_25 = arith.constant 0 : i32
      %dma_wait3A_26 = tpu.memref_slice %arg4[%add3A, %dma_wait3A, %dma_wait3A_25] : memref<32x125x80xi32, #tpu.memory_space<hbm>> -> memref<1x125x80xi32, #tpu.memory_space<hbm>>
      %dma_wait3A_27 = tpu.memref_squeeze %dma_wait3A_26 : memref<1x125x80xi32, #tpu.memory_space<hbm>> -> memref<125x80xi32, #tpu.memory_space<hbm>>
      %dma_wait3A_28 = arith.constant 0 : i32
      %dma_wait3A_29 = arith.constant 0 : i32
      %dma_wait3A_30 = tpu.memref_slice %arg4[%add3A, %dma_wait3A_28, %dma_wait3A_29] : memref<32x125x80xi32, #tpu.memory_space<hbm>> -> memref<1x125x80xi32, #tpu.memory_space<hbm>>
      %dma_wait3A_31 = tpu.memref_squeeze %dma_wait3A_30 : memref<1x125x80xi32, #tpu.memory_space<hbm>> -> memref<125x80xi32, #tpu.memory_space<hbm>>
      tpu.wait_dma2 semaphore(%run_scoped3A : memref<!tpu.dma_semaphore, #tpu.memory_space<semaphore_mem>>) src(%dma_wait3A_31 : memref<125x80xi32, #tpu.memory_space<hbm>>) dst(%arg8 : memref<125x80xi32, #tpu.memory_space<vmem>>)
      tpu.yield
    }) : () -> ()
    %barrier3A = arith.constant 0 : index
    tpu.barrier barrier_id(%barrier3A)
    %scan3A = arith.constant 0 : i32
    %scan3A_5 = arith.constant 0 : i32
    %scan3A_6 = arith.constant 125 : i32
    %scan3A_7 = arith.addi %scan3A_5, %scan3A_6 : i32
    %scan3A_8 = arith.constant 1 : i32
    scf.for %scan3A_18 = %scan3A_5 to %scan3A_7 step %scan3A_8  : i32 {
      %dma_start3A = arith.constant 0 : i32
      %dma_start3A_19 = tpu.memref_slice %arg7[%scan3A_18, %dma_start3A] : memref<125x80xi32, #tpu.memory_space<vmem>> -> memref<1x80xi32, #tpu.memory_space<vmem>>
      %dma_start3A_20 = tpu.memref_squeeze %dma_start3A_19 : memref<1x80xi32, #tpu.memory_space<vmem>> -> memref<80xi32, #tpu.memory_space<vmem>>
      %dma_start3A_21 = arith.constant 0 : i32
      %dma_start3A_22 = arith.constant 0 : i32
      %dma_start3A_23 = tpu.memref_slice %arg2[%dma_start3A_21, %dma_start3A_22] : memref<10000x128xf32, #tpu.memory_space<hbm>> -> memref<10000x128xf32, #tpu.memory_space<hbm>>
      tpu.enqueue_indirect_dma source(%dma_start3A_23 : memref<10000x128xf32, #tpu.memory_space<hbm>>) target(%arg9 : memref<80x128xf32, #tpu.memory_space<vmem>>) offsets(%dma_start3A_20 : memref<80xi32, #tpu.memory_space<vmem>>) semaphore(%arg11 : memref<!tpu.dma_semaphore, #tpu.memory_space<semaphore_mem>>)
      %dma_wait3A = arith.constant 0 : i32
      %dma_wait3A_24 = tpu.memref_slice %arg7[%scan3A_18, %dma_wait3A] : memref<125x80xi32, #tpu.memory_space<vmem>> -> memref<1x80xi32, #tpu.memory_space<vmem>>
      %dma_wait3A_25 = tpu.memref_squeeze %dma_wait3A_24 : memref<1x80xi32, #tpu.memory_space<vmem>> -> memref<80xi32, #tpu.memory_space<vmem>>
      %dma_wait3A_26 = arith.constant 0 : i32
      %dma_wait3A_27 = arith.constant 0 : i32
      %dma_wait3A_28 = tpu.memref_slice %arg2[%dma_wait3A_26, %dma_wait3A_27] : memref<10000x128xf32, #tpu.memory_space<hbm>> -> memref<10000x128xf32, #tpu.memory_space<hbm>>
      tpu.wait_indirect_dma semaphore(%arg11 : memref<!tpu.dma_semaphore, #tpu.memory_space<semaphore_mem>>) src(%dma_wait3A_28 : memref<10000x128xf32, #tpu.memory_space<hbm>>) dst(%arg9 : memref<80x128xf32, #tpu.memory_space<vmem>>)
      "tpu.region"() ({
        %run_scoped3A = tpu.sem_alloc : memref<!tpu.dma_semaphore, #tpu.memory_space<semaphore_mem>>
        %dma_start3A_29 = arith.constant 0 : i32
        %dma_start3A_30 = tpu.memref_slice %arg8[%scan3A_18, %dma_start3A_29] : memref<125x80xi32, #tpu.memory_space<vmem>> -> memref<1x80xi32, #tpu.memory_space<vmem>>
        %dma_start3A_31 = tpu.memref_squeeze %dma_start3A_30 : memref<1x80xi32, #tpu.memory_space<vmem>> -> memref<80xi32, #tpu.memory_space<vmem>>
        %dma_start3A_32 = arith.constant 0 : i32
        %dma_start3A_33 = arith.constant 0 : i32
        %dma_start3A_34 = tpu.memref_slice %arg10[%dma_start3A_32, %dma_start3A_33] : memref<10240x128xf32, #tpu.memory_space<vmem_shared>> -> memref<10240x128xf32, #tpu.memory_space<vmem_shared>>
        tpu.enqueue_indirect_dma source(%arg9 : memref<80x128xf32, #tpu.memory_space<vmem>>) target(%dma_start3A_34 : memref<10240x128xf32, #tpu.memory_space<vmem_shared>>) offsets(%dma_start3A_31 : memref<80xi32, #tpu.memory_space<vmem>>) semaphore(%run_scoped3A : memref<!tpu.dma_semaphore, #tpu.memory_space<semaphore_mem>>) {add = true}
        %dma_wait3A_35 = arith.constant 0 : i32
        %dma_wait3A_36 = tpu.memref_slice %arg8[%scan3A_18, %dma_wait3A_35] : memref<125x80xi32, #tpu.memory_space<vmem>> -> memref<1x80xi32, #tpu.memory_space<vmem>>
        %dma_wait3A_37 = tpu.memref_squeeze %dma_wait3A_36 : memref<1x80xi32, #tpu.memory_space<vmem>> -> memref<80xi32, #tpu.memory_space<vmem>>
        %dma_wait3A_38 = arith.constant 0 : i32
        %dma_wait3A_39 = arith.constant 0 : i32
        %dma_wait3A_40 = tpu.memref_slice %arg10[%dma_wait3A_38, %dma_wait3A_39] : memref<10240x128xf32, #tpu.memory_space<vmem_shared>> -> memref<10240x128xf32, #tpu.memory_space<vmem_shared>>
        tpu.wait_indirect_dma semaphore(%run_scoped3A : memref<!tpu.dma_semaphore, #tpu.memory_space<semaphore_mem>>) src(%arg9 : memref<80x128xf32, #tpu.memory_space<vmem>>) dst(%dma_wait3A_40 : memref<10240x128xf32, #tpu.memory_space<vmem_shared>>)
        tpu.yield
      }) : () -> ()
    }
    %scan3A_9 = arith.constant 125 : i32
    %barrier3A_10 = arith.constant 0 : index
    tpu.barrier barrier_id(%barrier3A_10)
    %mul3A_11 = arith.constant 640 : i32
    %mul3A_12 = arith.muli %arg1, %mul3A_11 : i32
    %mul3A_13 = arith.constant 10240 : i32
    %mul3A_14 = arith.muli %arg0, %mul3A_13 : i32
    %mul3A_15 = arith.constant 640 : i32
    %mul3A_16 = arith.muli %arg1, %mul3A_15 : i32
    %add3A_17 = arith.addi %mul3A_14, %mul3A_16 : i32
    "tpu.region"() ({
      %run_scoped3A = tpu.sem_alloc : memref<!tpu.dma_semaphore, #tpu.memory_space<semaphore_mem>>
      %dma_start3A = arith.constant 0 : i32
      %dma_start3A_18 = tpu.memref_slice %arg6[%add3A_17, %dma_start3A] : memref<20480x128xf32, #tpu.memory_space<hbm>> -> memref<640x128xf32, #tpu.memory_space<hbm>>
      %dma_start3A_19 = arith.constant 0 : i32
      %dma_start3A_20 = tpu.memref_slice %arg10[%mul3A_12, %dma_start3A_19] : memref<10240x128xf32, #tpu.memory_space<vmem_shared>> -> memref<640x128xf32, #tpu.memory_space<vmem_shared>>
      tpu.enqueue_dma source(%dma_start3A_20 : memref<640x128xf32, #tpu.memory_space<vmem_shared>>) target(%dma_start3A_18 : memref<640x128xf32, #tpu.memory_space<hbm>>) target_semaphore(%run_scoped3A : memref<!tpu.dma_semaphore, #tpu.memory_space<semaphore_mem>>)
      %dma_wait3A = arith.constant 0 : i32
      %dma_wait3A_21 = tpu.memref_slice %arg6[%add3A_17, %dma_wait3A] : memref<20480x128xf32, #tpu.memory_space<hbm>> -> memref<640x128xf32, #tpu.memory_space<hbm>>
      %dma_wait3A_22 = arith.constant 0 : i32
      %dma_wait3A_23 = tpu.memref_slice %arg10[%mul3A_12, %dma_wait3A_22] : memref<10240x128xf32, #tpu.memory_space<vmem_shared>> -> memref<640x128xf32, #tpu.memory_space<vmem_shared>>
      tpu.wait_dma2 semaphore(%run_scoped3A : memref<!tpu.dma_semaphore, #tpu.memory_space<semaphore_mem>>) src(%dma_wait3A_23 : memref<640x128xf32, #tpu.memory_space<vmem_shared>>) dst(%dma_wait3A_21 : memref<640x128xf32, #tpu.memory_space<hbm>>)
      tpu.yield
    }) : () -> ()
    return
  }
}

#map = affine_map<(d0, d1) -> (0, 0)>
#map1 = affine_map<(d0, d1) -> (0, 0, 0)>
module attributes {stable_mosaic.version = 14 : i64} {
  func.func @_segsum_sc(%arg0: i32, %arg1: i32, %arg2: memref<10000x128xf32, #tpu.memory_space<hbm>>, %arg3: memref<32x125x80xi32, #tpu.memory_space<hbm>>, %arg4: memref<32x125x80xi32, #tpu.memory_space<hbm>>, %arg5: memref<10240x128xf32, #tpu.memory_space<hbm>>, %arg6: memref<20480x128xf32, #tpu.memory_space<hbm>>, %arg7: memref<125x80xi32, #tpu.memory_space<vmem>>, %arg8: memref<125x80xi32, #tpu.memory_space<vmem>>, %arg9: memref<80x128xf32, #tpu.memory_space<vmem>>, %arg10: memref<10240x128xf32, #tpu.memory_space<vmem_shared>>, %arg11: memref<!tpu.dma_semaphore, #tpu.memory_space<semaphore_mem>>) attributes {dimension_semantics = [#tpu.dimension_semantics<core_parallel>, #tpu.dimension_semantics<subcore_parallel>], iteration_bounds = array<i64: 2, 16>, scalar_prefetch = 0 : i64, scratch_operands = 5 : i64, tpu.core_type = #tpu.core_type<sc_vector_subcore>, window_params = [{transform_indices = #map}, {transform_indices = #map1}, {transform_indices = #map1}, {transform_indices = #map}, {transform_indices = #map}]} {
    %mul3A = arith.constant 16 : i32
    %mul3A_0 = arith.muli %arg0, %mul3A : i32
    %add3A = arith.addi %mul3A_0, %arg1 : i32
    %mul3A_1 = arith.constant 640 : i32
    %mul3A_2 = arith.muli %arg1, %mul3A_1 : i32
    %mul3A_3 = arith.constant 640 : i32
    %mul3A_4 = arith.muli %arg1, %mul3A_3 : i32
    "tpu.region"() ({
      %run_scoped3A = tpu.sem_alloc : memref<!tpu.dma_semaphore, #tpu.memory_space<semaphore_mem>>
      %dma_start3A = arith.constant 0 : i32
      %dma_start3A_18 = tpu.memref_slice %arg10[%mul3A_4, %dma_start3A] : memref<10240x128xf32, #tpu.memory_space<vmem_shared>> -> memref<640x128xf32, #tpu.memory_space<vmem_shared>>
      %dma_start3A_19 = arith.constant 0 : i32
      %dma_start3A_20 = tpu.memref_slice %arg5[%mul3A_2, %dma_start3A_19] : memref<10240x128xf32, #tpu.memory_space<hbm>> -> memref<640x128xf32, #tpu.memory_space<hbm>>
      tpu.enqueue_dma source(%dma_start3A_20 : memref<640x128xf32, #tpu.memory_space<hbm>>) target(%dma_start3A_18 : memref<640x128xf32, #tpu.memory_space<vmem_shared>>) target_semaphore(%run_scoped3A : memref<!tpu.dma_semaphore, #tpu.memory_space<semaphore_mem>>)
      %dma_wait3A = arith.constant 0 : i32
      %dma_wait3A_21 = tpu.memref_slice %arg10[%mul3A_4, %dma_wait3A] : memref<10240x128xf32, #tpu.memory_space<vmem_shared>> -> memref<640x128xf32, #tpu.memory_space<vmem_shared>>
      %dma_wait3A_22 = arith.constant 0 : i32
      %dma_wait3A_23 = tpu.memref_slice %arg5[%mul3A_2, %dma_wait3A_22] : memref<10240x128xf32, #tpu.memory_space<hbm>> -> memref<640x128xf32, #tpu.memory_space<hbm>>
      tpu.wait_dma2 semaphore(%run_scoped3A : memref<!tpu.dma_semaphore, #tpu.memory_space<semaphore_mem>>) src(%dma_wait3A_23 : memref<640x128xf32, #tpu.memory_space<hbm>>) dst(%dma_wait3A_21 : memref<640x128xf32, #tpu.memory_space<vmem_shared>>)
      tpu.yield
    }) : () -> ()
    "tpu.region"() ({
      %run_scoped3A = tpu.sem_alloc : memref<!tpu.dma_semaphore, #tpu.memory_space<semaphore_mem>>
      %dma_start3A = arith.constant 0 : i32
      %dma_start3A_18 = arith.constant 0 : i32
      %dma_start3A_19 = tpu.memref_slice %arg3[%add3A, %dma_start3A, %dma_start3A_18] : memref<32x125x80xi32, #tpu.memory_space<hbm>> -> memref<1x125x80xi32, #tpu.memory_space<hbm>>
      %dma_start3A_20 = tpu.memref_squeeze %dma_start3A_19 : memref<1x125x80xi32, #tpu.memory_space<hbm>> -> memref<125x80xi32, #tpu.memory_space<hbm>>
      %dma_start3A_21 = arith.constant 0 : i32
      %dma_start3A_22 = arith.constant 0 : i32
      %dma_start3A_23 = tpu.memref_slice %arg3[%add3A, %dma_start3A_21, %dma_start3A_22] : memref<32x125x80xi32, #tpu.memory_space<hbm>> -> memref<1x125x80xi32, #tpu.memory_space<hbm>>
      %dma_start3A_24 = tpu.memref_squeeze %dma_start3A_23 : memref<1x125x80xi32, #tpu.memory_space<hbm>> -> memref<125x80xi32, #tpu.memory_space<hbm>>
      tpu.enqueue_dma source(%dma_start3A_24 : memref<125x80xi32, #tpu.memory_space<hbm>>) target(%arg7 : memref<125x80xi32, #tpu.memory_space<vmem>>) target_semaphore(%run_scoped3A : memref<!tpu.dma_semaphore, #tpu.memory_space<semaphore_mem>>)
      %dma_wait3A = arith.constant 0 : i32
      %dma_wait3A_25 = arith.constant 0 : i32
      %dma_wait3A_26 = tpu.memref_slice %arg3[%add3A, %dma_wait3A, %dma_wait3A_25] : memref<32x125x80xi32, #tpu.memory_space<hbm>> -> memref<1x125x80xi32, #tpu.memory_space<hbm>>
      %dma_wait3A_27 = tpu.memref_squeeze %dma_wait3A_26 : memref<1x125x80xi32, #tpu.memory_space<hbm>> -> memref<125x80xi32, #tpu.memory_space<hbm>>
      %dma_wait3A_28 = arith.constant 0 : i32
      %dma_wait3A_29 = arith.constant 0 : i32
      %dma_wait3A_30 = tpu.memref_slice %arg3[%add3A, %dma_wait3A_28, %dma_wait3A_29] : memref<32x125x80xi32, #tpu.memory_space<hbm>> -> memref<1x125x80xi32, #tpu.memory_space<hbm>>
      %dma_wait3A_31 = tpu.memref_squeeze %dma_wait3A_30 : memref<1x125x80xi32, #tpu.memory_space<hbm>> -> memref<125x80xi32, #tpu.memory_space<hbm>>
      tpu.wait_dma2 semaphore(%run_scoped3A : memref<!tpu.dma_semaphore, #tpu.memory_space<semaphore_mem>>) src(%dma_wait3A_31 : memref<125x80xi32, #tpu.memory_space<hbm>>) dst(%arg7 : memref<125x80xi32, #tpu.memory_space<vmem>>)
      tpu.yield
    }) : () -> ()
    "tpu.region"() ({
      %run_scoped3A = tpu.sem_alloc : memref<!tpu.dma_semaphore, #tpu.memory_space<semaphore_mem>>
      %dma_start3A = arith.constant 0 : i32
      %dma_start3A_18 = arith.constant 0 : i32
      %dma_start3A_19 = tpu.memref_slice %arg4[%add3A, %dma_start3A, %dma_start3A_18] : memref<32x125x80xi32, #tpu.memory_space<hbm>> -> memref<1x125x80xi32, #tpu.memory_space<hbm>>
      %dma_start3A_20 = tpu.memref_squeeze %dma_start3A_19 : memref<1x125x80xi32, #tpu.memory_space<hbm>> -> memref<125x80xi32, #tpu.memory_space<hbm>>
      %dma_start3A_21 = arith.constant 0 : i32
      %dma_start3A_22 = arith.constant 0 : i32
      %dma_start3A_23 = tpu.memref_slice %arg4[%add3A, %dma_start3A_21, %dma_start3A_22] : memref<32x125x80xi32, #tpu.memory_space<hbm>> -> memref<1x125x80xi32, #tpu.memory_space<hbm>>
      %dma_start3A_24 = tpu.memref_squeeze %dma_start3A_23 : memref<1x125x80xi32, #tpu.memory_space<hbm>> -> memref<125x80xi32, #tpu.memory_space<hbm>>
      tpu.enqueue_dma source(%dma_start3A_24 : memref<125x80xi32, #tpu.memory_space<hbm>>) target(%arg8 : memref<125x80xi32, #tpu.memory_space<vmem>>) target_semaphore(%run_scoped3A : memref<!tpu.dma_semaphore, #tpu.memory_space<semaphore_mem>>)
      %dma_wait3A = arith.constant 0 : i32
      %dma_wait3A_25 = arith.constant 0 : i32
      %dma_wait3A_26 = tpu.memref_slice %arg4[%add3A, %dma_wait3A, %dma_wait3A_25] : memref<32x125x80xi32, #tpu.memory_space<hbm>> -> memref<1x125x80xi32, #tpu.memory_space<hbm>>
      %dma_wait3A_27 = tpu.memref_squeeze %dma_wait3A_26 : memref<1x125x80xi32, #tpu.memory_space<hbm>> -> memref<125x80xi32, #tpu.memory_space<hbm>>
      %dma_wait3A_28 = arith.constant 0 : i32
      %dma_wait3A_29 = arith.constant 0 : i32
      %dma_wait3A_30 = tpu.memref_slice %arg4[%add3A, %dma_wait3A_28, %dma_wait3A_29] : memref<32x125x80xi32, #tpu.memory_space<hbm>> -> memref<1x125x80xi32, #tpu.memory_space<hbm>>
      %dma_wait3A_31 = tpu.memref_squeeze %dma_wait3A_30 : memref<1x125x80xi32, #tpu.memory_space<hbm>> -> memref<125x80xi32, #tpu.memory_space<hbm>>
      tpu.wait_dma2 semaphore(%run_scoped3A : memref<!tpu.dma_semaphore, #tpu.memory_space<semaphore_mem>>) src(%dma_wait3A_31 : memref<125x80xi32, #tpu.memory_space<hbm>>) dst(%arg8 : memref<125x80xi32, #tpu.memory_space<vmem>>)
      tpu.yield
    }) : () -> ()
    %barrier3A = arith.constant 0 : index
    tpu.barrier barrier_id(%barrier3A)
    %scan3A = arith.constant 0 : i32
    %scan3A_5 = arith.constant 0 : i32
    %scan3A_6 = arith.constant 125 : i32
    %scan3A_7 = arith.addi %scan3A_5, %scan3A_6 : i32
    %scan3A_8 = arith.constant 1 : i32
    scf.for %scan3A_18 = %scan3A_5 to %scan3A_7 step %scan3A_8  : i32 {
      %dma_start3A = arith.constant 0 : i32
      %dma_start3A_19 = tpu.memref_slice %arg7[%scan3A_18, %dma_start3A] : memref<125x80xi32, #tpu.memory_space<vmem>> -> memref<1x80xi32, #tpu.memory_space<vmem>>
      %dma_start3A_20 = tpu.memref_squeeze %dma_start3A_19 : memref<1x80xi32, #tpu.memory_space<vmem>> -> memref<80xi32, #tpu.memory_space<vmem>>
      %dma_start3A_21 = arith.constant 0 : i32
      %dma_start3A_22 = arith.constant 0 : i32
      %dma_start3A_23 = tpu.memref_slice %arg2[%dma_start3A_21, %dma_start3A_22] : memref<10000x128xf32, #tpu.memory_space<hbm>> -> memref<10000x128xf32, #tpu.memory_space<hbm>>
      tpu.enqueue_indirect_dma source(%dma_start3A_23 : memref<10000x128xf32, #tpu.memory_space<hbm>>) target(%arg9 : memref<80x128xf32, #tpu.memory_space<vmem>>) offsets(%dma_start3A_20 : memref<80xi32, #tpu.memory_space<vmem>>) semaphore(%arg11 : memref<!tpu.dma_semaphore, #tpu.memory_space<semaphore_mem>>)
      %dma_wait3A = arith.constant 0 : i32
      %dma_wait3A_24 = tpu.memref_slice %arg7[%scan3A_18, %dma_wait3A] : memref<125x80xi32, #tpu.memory_space<vmem>> -> memref<1x80xi32, #tpu.memory_space<vmem>>
      %dma_wait3A_25 = tpu.memref_squeeze %dma_wait3A_24 : memref<1x80xi32, #tpu.memory_space<vmem>> -> memref<80xi32, #tpu.memory_space<vmem>>
      %dma_wait3A_26 = arith.constant 0 : i32
      %dma_wait3A_27 = arith.constant 0 : i32
      %dma_wait3A_28 = tpu.memref_slice %arg2[%dma_wait3A_26, %dma_wait3A_27] : memref<10000x128xf32, #tpu.memory_space<hbm>> -> memref<10000x128xf32, #tpu.memory_space<hbm>>
      tpu.wait_indirect_dma semaphore(%arg11 : memref<!tpu.dma_semaphore, #tpu.memory_space<semaphore_mem>>) src(%dma_wait3A_28 : memref<10000x128xf32, #tpu.memory_space<hbm>>) dst(%arg9 : memref<80x128xf32, #tpu.memory_space<vmem>>)
      "tpu.region"() ({
        %run_scoped3A = tpu.sem_alloc : memref<!tpu.dma_semaphore, #tpu.memory_space<semaphore_mem>>
        %dma_start3A_29 = arith.constant 0 : i32
        %dma_start3A_30 = tpu.memref_slice %arg8[%scan3A_18, %dma_start3A_29] : memref<125x80xi32, #tpu.memory_space<vmem>> -> memref<1x80xi32, #tpu.memory_space<vmem>>
        %dma_start3A_31 = tpu.memref_squeeze %dma_start3A_30 : memref<1x80xi32, #tpu.memory_space<vmem>> -> memref<80xi32, #tpu.memory_space<vmem>>
        %dma_start3A_32 = arith.constant 0 : i32
        %dma_start3A_33 = arith.constant 0 : i32
        %dma_start3A_34 = tpu.memref_slice %arg10[%dma_start3A_32, %dma_start3A_33] : memref<10240x128xf32, #tpu.memory_space<vmem_shared>> -> memref<10240x128xf32, #tpu.memory_space<vmem_shared>>
        tpu.enqueue_indirect_dma source(%arg9 : memref<80x128xf32, #tpu.memory_space<vmem>>) target(%dma_start3A_34 : memref<10240x128xf32, #tpu.memory_space<vmem_shared>>) offsets(%dma_start3A_31 : memref<80xi32, #tpu.memory_space<vmem>>) semaphore(%run_scoped3A : memref<!tpu.dma_semaphore, #tpu.memory_space<semaphore_mem>>) {add = true}
        %dma_wait3A_35 = arith.constant 0 : i32
        %dma_wait3A_36 = tpu.memref_slice %arg8[%scan3A_18, %dma_wait3A_35] : memref<125x80xi32, #tpu.memory_space<vmem>> -> memref<1x80xi32, #tpu.memory_space<vmem>>
        %dma_wait3A_37 = tpu.memref_squeeze %dma_wait3A_36 : memref<1x80xi32, #tpu.memory_space<vmem>> -> memref<80xi32, #tpu.memory_space<vmem>>
        %dma_wait3A_38 = arith.constant 0 : i32
        %dma_wait3A_39 = arith.constant 0 : i32
        %dma_wait3A_40 = tpu.memref_slice %arg10[%dma_wait3A_38, %dma_wait3A_39] : memref<10240x128xf32, #tpu.memory_space<vmem_shared>> -> memref<10240x128xf32, #tpu.memory_space<vmem_shared>>
        tpu.wait_indirect_dma semaphore(%run_scoped3A : memref<!tpu.dma_semaphore, #tpu.memory_space<semaphore_mem>>) src(%arg9 : memref<80x128xf32, #tpu.memory_space<vmem>>) dst(%dma_wait3A_40 : memref<10240x128xf32, #tpu.memory_space<vmem_shared>>)
        tpu.yield
      }) : () -> ()
    }
    %scan3A_9 = arith.constant 125 : i32
    %barrier3A_10 = arith.constant 0 : index
    tpu.barrier barrier_id(%barrier3A_10)
    %mul3A_11 = arith.constant 640 : i32
    %mul3A_12 = arith.muli %arg1, %mul3A_11 : i32
    %mul3A_13 = arith.constant 10240 : i32
    %mul3A_14 = arith.muli %arg0, %mul3A_13 : i32
    %mul3A_15 = arith.constant 640 : i32
    %mul3A_16 = arith.muli %arg1, %mul3A_15 : i32
    %add3A_17 = arith.addi %mul3A_14, %mul3A_16 : i32
    "tpu.region"() ({
      %run_scoped3A = tpu.sem_alloc : memref<!tpu.dma_semaphore, #tpu.memory_space<semaphore_mem>>
      %dma_start3A = arith.constant 0 : i32
      %dma_start3A_18 = tpu.memref_slice %arg6[%add3A_17, %dma_start3A] : memref<20480x128xf32, #tpu.memory_space<hbm>> -> memref<640x128xf32, #tpu.memory_space<hbm>>
      %dma_start3A_19 = arith.constant 0 : i32
      %dma_start3A_20 = tpu.memref_slice %arg10[%mul3A_12, %dma_start3A_19] : memref<10240x128xf32, #tpu.memory_space<vmem_shared>> -> memref<640x128xf32, #tpu.memory_space<vmem_shared>>
      tpu.enqueue_dma source(%dma_start3A_20 : memref<640x128xf32, #tpu.memory_space<vmem_shared>>) target(%dma_start3A_18 : memref<640x128xf32, #tpu.memory_space<hbm>>) target_semaphore(%run_scoped3A : memref<!tpu.dma_semaphore, #tpu.memory_space<semaphore_mem>>)
      %dma_wait3A = arith.constant 0 : i32
      %dma_wait3A_21 = tpu.memref_slice %arg6[%add3A_17, %dma_wait3A] : memref<20480x128xf32, #tpu.memory_space<hbm>> -> memref<640x128xf32, #tpu.memory_space<hbm>>
      %dma_wait3A_22 = arith.constant 0 : i32
      %dma_wait3A_23 = tpu.memref_slice %arg10[%mul3A_12, %dma_wait3A_22] : memref<10240x128xf32, #tpu.memory_space<vmem_shared>> -> memref<640x128xf32, #tpu.memory_space<vmem_shared>>
      tpu.wait_dma2 semaphore(%run_scoped3A : memref<!tpu.dma_semaphore, #tpu.memory_space<semaphore_mem>>) src(%dma_wait3A_23 : memref<640x128xf32, #tpu.memory_space<vmem_shared>>) dst(%dma_wait3A_21 : memref<640x128xf32, #tpu.memory_space<hbm>>)
      tpu.yield
    }) : () -> ()
    return
  }
}

module attributes {stable_mosaic.version = 14 : i64} {
  func.func @_emb_pq_body(%arg0: i32, %arg1: memref<2000x128xf32, #tpu.memory_space<vmem>>, %arg2: memref<128x128xf32, #tpu.memory_space<vmem>>, %arg3: memref<1x128xf32, #tpu.memory_space<vmem>>, %arg4: memref<128x128xf32, #tpu.memory_space<vmem>>, %arg5: memref<128x128xf32, #tpu.memory_space<vmem>>, %arg6: memref<2000x128xf32, #tpu.memory_space<vmem>>, %arg7: memref<2000x128xf32, #tpu.memory_space<vmem>>) attributes {dimension_semantics = [#tpu.dimension_semantics<arbitrary>], iteration_bounds = array<i64: 5>, scalar_prefetch = 0 : i64, scratch_operands = 0 : i64, tpu.core_type = #tpu.core_type<tc>, window_params = [{transform_indices = @transform_0, window_bounds = array<i64: 2000, 128>}, {pipeline_mode = #tpu.pipeline_mode<synchronous>, transform_indices = @transform_1, window_bounds = array<i64: 128, 128>}, {pipeline_mode = #tpu.pipeline_mode<synchronous>, transform_indices = @transform_2, window_bounds = array<i64: 1, 128>}, {pipeline_mode = #tpu.pipeline_mode<synchronous>, transform_indices = @transform_3, window_bounds = array<i64: 128, 128>}, {pipeline_mode = #tpu.pipeline_mode<synchronous>, transform_indices = @transform_4, window_bounds = array<i64: 128, 128>}, {transform_indices = @transform_5, window_bounds = array<i64: 2000, 128>}, {transform_indices = @transform_6, window_bounds = array<i64: 2000, 128>}]} {
    %get3A = arith.constant 0 : index
    %get3A_0 = arith.constant 0 : index
    %get3A_1 = vector.load %arg1[%get3A, %get3A_0] : memref<2000x128xf32, #tpu.memory_space<vmem>>, vector<2000x128xf32>
    %get3A_2 = arith.constant 0 : index
    %get3A_3 = arith.constant 0 : index
    %get3A_4 = vector.load %arg2[%get3A_2, %get3A_3] : memref<128x128xf32, #tpu.memory_space<vmem>>, vector<128x128xf32>
    %dot_general3A = arith.constant dense<0.000000e+00> : vector<2000x128xf32>
    %dot_general3A_5 = tpu.matmul %get3A_1, %get3A_4, %dot_general3A {dimension_numbers = #tpu.dot_dimension_numbers<[1], [0], [0], [1], [0, 0, 1, 1], [], []>, precision = #tpu.contract_precision<fp32>, transpose_lhs_hint = false} : vector<2000x128xf32>, vector<128x128xf32>, vector<2000x128xf32> -> vector<2000x128xf32>
    %get3A_6 = arith.constant 0 : index
    %get3A_7 = arith.constant 0 : index
    %get3A_8 = vector.load %arg3[%get3A_6, %get3A_7] : memref<1x128xf32, #tpu.memory_space<vmem>>, vector<1x128xf32>
    %add3A = vector.broadcast %get3A_8 : vector<1x128xf32> to vector<2000x128xf32>
    %add3A_9 = arith.addf %dot_general3A_5, %add3A : vector<2000x128xf32>
    %max3A = arith.constant 0.000000e+00 : f32
    %max3A_10 = vector.broadcast %max3A : f32 to vector<2000x128xf32>
    %max3A_11 = arith.maximumf %add3A_9, %max3A_10 : vector<2000x128xf32>
    %get3A_12 = arith.constant 0 : index
    %get3A_13 = arith.constant 0 : index
    %get3A_14 = vector.load %arg4[%get3A_12, %get3A_13] : memref<128x128xf32, #tpu.memory_space<vmem>>, vector<128x128xf32>
    %dot_general3A_15 = arith.constant dense<0.000000e+00> : vector<2000x128xf32>
    %dot_general3A_16 = tpu.matmul %max3A_11, %get3A_14, %dot_general3A_15 {dimension_numbers = #tpu.dot_dimension_numbers<[1], [0], [0], [1], [0, 0, 1, 1], [], []>, precision = #tpu.contract_precision<fp32>, transpose_lhs_hint = false} : vector<2000x128xf32>, vector<128x128xf32>, vector<2000x128xf32> -> vector<2000x128xf32>
    %swap3A = arith.constant 0 : index
    %swap3A_17 = arith.constant 0 : index
    %swap3A_18 = vector.load %arg6[%swap3A, %swap3A_17] : memref<2000x128xf32, #tpu.memory_space<vmem>>, vector<2000x128xf32>
    tpu.vector_store %arg6[%swap3A, %swap3A_17], %dot_general3A_16 {strides = array<i32>} : memref<2000x128xf32, #tpu.memory_space<vmem>>, vector<2000x128xf32>,
    %get3A_19 = arith.constant 0 : index
    %get3A_20 = arith.constant 0 : index
    %get3A_21 = vector.load %arg5[%get3A_19, %get3A_20] : memref<128x128xf32, #tpu.memory_space<vmem>>, vector<128x128xf32>
    %dot_general3A_22 = arith.constant dense<0.000000e+00> : vector<2000x128xf32>
    %dot_general3A_23 = tpu.matmul %max3A_11, %get3A_21, %dot_general3A_22 {dimension_numbers = #tpu.dot_dimension_numbers<[1], [0], [0], [1], [0, 0, 1, 1], [], []>, precision = #tpu.contract_precision<fp32>, transpose_lhs_hint = false} : vector<2000x128xf32>, vector<128x128xf32>, vector<2000x128xf32> -> vector<2000x128xf32>
    %swap3A_24 = arith.constant 0 : index
    %swap3A_25 = arith.constant 0 : index
    %swap3A_26 = vector.load %arg7[%swap3A_24, %swap3A_25] : memref<2000x128xf32, #tpu.memory_space<vmem>>, vector<2000x128xf32>
    tpu.vector_store %arg7[%swap3A_24, %swap3A_25], %dot_general3A_23 {strides = array<i32>} : memref<2000x128xf32, #tpu.memory_space<vmem>>, vector<2000x128xf32>,
    return
  }
  func.func @transform_0(%arg0: i32) -> (i32, i32) {
    %c0_i32 = arith.constant 0 : i32
    %c0_i32_0 = arith.constant 0 : i32
    return %arg0, %c0_i32 : i32, i32
  }
  func.func @transform_1(%arg0: i32) -> (i32, i32) {
    %c0_i32 = arith.constant 0 : i32
    %c0_i32_0 = arith.constant 0 : i32
    %c0_i32_1 = arith.constant 0 : i32
    return %c0_i32, %c0_i32_0 : i32, i32
  }
  func.func @transform_2(%arg0: i32) -> (i32, i32) {
    %c0_i32 = arith.constant 0 : i32
    %c0_i32_0 = arith.constant 0 : i32
    %c0_i32_1 = arith.constant 0 : i32
    return %c0_i32, %c0_i32_0 : i32, i32
  }
  func.func @transform_3(%arg0: i32) -> (i32, i32) {
    %c0_i32 = arith.constant 0 : i32
    %c0_i32_0 = arith.constant 0 : i32
    %c0_i32_1 = arith.constant 0 : i32
    return %c0_i32, %c0_i32_0 : i32, i32
  }
  func.func @transform_4(%arg0: i32) -> (i32, i32) {
    %c0_i32 = arith.constant 0 : i32
    %c0_i32_0 = arith.constant 0 : i32
    %c0_i32_1 = arith.constant 0 : i32
    return %c0_i32, %c0_i32_0 : i32, i32
  }
  func.func @transform_5(%arg0: i32) -> (i32, i32) {
    %c0_i32 = arith.constant 0 : i32
    %c0_i32_0 = arith.constant 0 : i32
    return %arg0, %c0_i32 : i32, i32
  }
  func.func @transform_6(%arg0: i32) -> (i32, i32) {
    %c0_i32 = arith.constant 0 : i32
    %c0_i32_0 = arith.constant 0 : i32
    return %arg0, %c0_i32 : i32, i32
  }
}

module attributes {stable_mosaic.version = 14 : i64} {
  func.func @_deg_body(%arg0: i32, %arg1: memref<2000x128xf32, #tpu.memory_space<vmem>>, %arg2: memref<2000x128xf32, #tpu.memory_space<vmem>>, %arg3: memref<2000x128xf32, #tpu.memory_space<vmem>>) attributes {dimension_semantics = [#tpu.dimension_semantics<arbitrary>], iteration_bounds = array<i64: 5>, scalar_prefetch = 0 : i64, scratch_operands = 0 : i64, tpu.core_type = #tpu.core_type<tc>, window_params = [{transform_indices = @transform_0, window_bounds = array<i64: 2000, 128>}, {transform_indices = @transform_1, window_bounds = array<i64: 2000, 128>}, {transform_indices = @transform_2, window_bounds = array<i64: 2000, 128>}]} {
    %get3A = arith.constant 0 : index
    %get3A_0 = arith.constant 0 : index
    %get3A_1 = vector.load %arg1[%get3A, %get3A_0] : memref<2000x128xf32, #tpu.memory_space<vmem>>, vector<2000x1xf32>
    %get3A_2 = arith.constant 0 : index
    %get3A_3 = arith.constant 0 : index
    %get3A_4 = vector.load %arg2[%get3A_2, %get3A_3] : memref<2000x128xf32, #tpu.memory_space<vmem>>, vector<2000x1xf32>
    %add3A = arith.addf %get3A_1, %get3A_4 : vector<2000x1xf32>
    %max3A = arith.constant 1.000000e+00 : f32
    %max3A_5 = vector.broadcast %max3A : f32 to vector<2000x1xf32>
    %max3A_6 = arith.maximumf %add3A, %max3A_5 : vector<2000x1xf32>
    %broadcast_in_dim3A = vector.shape_cast %max3A_6 : vector<2000x1xf32> to vector<2000x1xf32>
    %broadcast_in_dim3A_7 = vector.broadcast %broadcast_in_dim3A : vector<2000x1xf32> to vector<2000x128xf32>
    %swap3A = arith.constant 0 : index
    %swap3A_8 = arith.constant 0 : index
    %swap3A_9 = vector.load %arg3[%swap3A, %swap3A_8] : memref<2000x128xf32, #tpu.memory_space<vmem>>, vector<2000x128xf32>
    tpu.vector_store %arg3[%swap3A, %swap3A_8], %broadcast_in_dim3A_7 {strides = array<i32>} : memref<2000x128xf32, #tpu.memory_space<vmem>>, vector<2000x128xf32>,
    return
  }
  func.func @transform_0(%arg0: i32) -> (i32, i32) {
    %c0_i32 = arith.constant 0 : i32
    %c0_i32_0 = arith.constant 0 : i32
    return %arg0, %c0_i32 : i32, i32
  }
  func.func @transform_1(%arg0: i32) -> (i32, i32) {
    %c0_i32 = arith.constant 0 : i32
    %c0_i32_0 = arith.constant 0 : i32
    return %arg0, %c0_i32 : i32, i32
  }
  func.func @transform_2(%arg0: i32) -> (i32, i32) {
    %c0_i32 = arith.constant 0 : i32
    %c0_i32_0 = arith.constant 0 : i32
    return %arg0, %c0_i32 : i32, i32
  }
}

module attributes {stable_mosaic.version = 14 : i64} {
  func.func @_comb_pq_body(%arg0: i32, %arg1: memref<2000x128xf32, #tpu.memory_space<vmem>>, %arg2: memref<2000x128xf32, #tpu.memory_space<vmem>>, %arg3: memref<2000x128xf32, #tpu.memory_space<vmem>>, %arg4: memref<2000x128xf32, #tpu.memory_space<vmem>>, %arg5: memref<1x128xf32, #tpu.memory_space<vmem>>, %arg6: memref<128x128xf32, #tpu.memory_space<vmem>>, %arg7: memref<128x128xf32, #tpu.memory_space<vmem>>, %arg8: memref<2000x128xf32, #tpu.memory_space<vmem>>, %arg9: memref<2000x128xf32, #tpu.memory_space<vmem>>) attributes {dimension_semantics = [#tpu.dimension_semantics<arbitrary>], iteration_bounds = array<i64: 5>, scalar_prefetch = 0 : i64, scratch_operands = 0 : i64, tpu.core_type = #tpu.core_type<tc>, window_params = [{transform_indices = @transform_0, window_bounds = array<i64: 2000, 128>}, {transform_indices = @transform_1, window_bounds = array<i64: 2000, 128>}, {transform_indices = @transform_2, window_bounds = array<i64: 2000, 128>}, {transform_indices = @transform_3, window_bounds = array<i64: 2000, 128>}, {pipeline_mode = #tpu.pipeline_mode<synchronous>, transform_indices = @transform_4, window_bounds = array<i64: 1, 128>}, {pipeline_mode = #tpu.pipeline_mode<synchronous>, transform_indices = @transform_5, window_bounds = array<i64: 128, 128>}, {pipeline_mode = #tpu.pipeline_mode<synchronous>, transform_indices = @transform_6, window_bounds = array<i64: 128, 128>}, {transform_indices = @transform_7, window_bounds = array<i64: 2000, 128>}, {transform_indices = @transform_8, window_bounds = array<i64: 2000, 128>}]} {
    %get3A = arith.constant 0 : index
    %get3A_0 = arith.constant 0 : index
    %get3A_1 = vector.load %arg1[%get3A, %get3A_0] : memref<2000x128xf32, #tpu.memory_space<vmem>>, vector<2000x128xf32>
    %get3A_2 = arith.constant 0 : index
    %get3A_3 = arith.constant 0 : index
    %get3A_4 = vector.load %arg2[%get3A_2, %get3A_3] : memref<2000x128xf32, #tpu.memory_space<vmem>>, vector<2000x128xf32>
    %add3A = arith.addf %get3A_1, %get3A_4 : vector<2000x128xf32>
    %get3A_5 = arith.constant 0 : index
    %get3A_6 = arith.constant 0 : index
    %get3A_7 = vector.load %arg3[%get3A_5, %get3A_6] : memref<2000x128xf32, #tpu.memory_space<vmem>>, vector<2000x128xf32>
    %div3A = arith.divf %add3A, %get3A_7 : vector<2000x128xf32>
    %get3A_8 = arith.constant 0 : index
    %get3A_9 = arith.constant 0 : index
    %get3A_10 = vector.load %arg5[%get3A_8, %get3A_9] : memref<1x128xf32, #tpu.memory_space<vmem>>, vector<1x128xf32>
    %add3A_11 = vector.broadcast %get3A_10 : vector<1x128xf32> to vector<2000x128xf32>
    %add3A_12 = arith.addf %div3A, %add3A_11 : vector<2000x128xf32>
    %get3A_13 = arith.constant 0 : index
    %get3A_14 = arith.constant 0 : index
    %get3A_15 = vector.load %arg4[%get3A_13, %get3A_14] : memref<2000x128xf32, #tpu.memory_space<vmem>>, vector<2000x128xf32>
    %add3A_16 = arith.addf %add3A_12, %get3A_15 : vector<2000x128xf32>
    %max3A = arith.constant 0.000000e+00 : f32
    %max3A_17 = vector.broadcast %max3A : f32 to vector<2000x128xf32>
    %max3A_18 = arith.maximumf %add3A_16, %max3A_17 : vector<2000x128xf32>
    %get3A_19 = arith.constant 0 : index
    %get3A_20 = arith.constant 0 : index
    %get3A_21 = vector.load %arg6[%get3A_19, %get3A_20] : memref<128x128xf32, #tpu.memory_space<vmem>>, vector<128x128xf32>
    %dot_general3A = arith.constant dense<0.000000e+00> : vector<2000x128xf32>
    %dot_general3A_22 = tpu.matmul %max3A_18, %get3A_21, %dot_general3A {dimension_numbers = #tpu.dot_dimension_numbers<[1], [0], [0], [1], [0, 0, 1, 1], [], []>, precision = #tpu.contract_precision<fp32>, transpose_lhs_hint = false} : vector<2000x128xf32>, vector<128x128xf32>, vector<2000x128xf32> -> vector<2000x128xf32>
    %swap3A = arith.constant 0 : index
    %swap3A_23 = arith.constant 0 : index
    %swap3A_24 = vector.load %arg8[%swap3A, %swap3A_23] : memref<2000x128xf32, #tpu.memory_space<vmem>>, vector<2000x128xf32>
    tpu.vector_store %arg8[%swap3A, %swap3A_23], %dot_general3A_22 {strides = array<i32>} : memref<2000x128xf32, #tpu.memory_space<vmem>>, vector<2000x128xf32>,
    %get3A_25 = arith.constant 0 : index
    %get3A_26 = arith.constant 0 : index
    %get3A_27 = vector.load %arg7[%get3A_25, %get3A_26] : memref<128x128xf32, #tpu.memory_space<vmem>>, vector<128x128xf32>
    %dot_general3A_28 = arith.constant dense<0.000000e+00> : vector<2000x128xf32>
    %dot_general3A_29 = tpu.matmul %max3A_18, %get3A_27, %dot_general3A_28 {dimension_numbers = #tpu.dot_dimension_numbers<[1], [0], [0], [1], [0, 0, 1, 1], [], []>, precision = #tpu.contract_precision<fp32>, transpose_lhs_hint = false} : vector<2000x128xf32>, vector<128x128xf32>, vector<2000x128xf32> -> vector<2000x128xf32>
    %swap3A_30 = arith.constant 0 : index
    %swap3A_31 = arith.constant 0 : index
    %swap3A_32 = vector.load %arg9[%swap3A_30, %swap3A_31] : memref<2000x128xf32, #tpu.memory_space<vmem>>, vector<2000x128xf32>
    tpu.vector_store %arg9[%swap3A_30, %swap3A_31], %dot_general3A_29 {strides = array<i32>} : memref<2000x128xf32, #tpu.memory_space<vmem>>, vector<2000x128xf32>,
    return
  }
  func.func @transform_0(%arg0: i32) -> (i32, i32) {
    %c0_i32 = arith.constant 0 : i32
    %c0_i32_0 = arith.constant 0 : i32
    return %arg0, %c0_i32 : i32, i32
  }
  func.func @transform_1(%arg0: i32) -> (i32, i32) {
    %c0_i32 = arith.constant 0 : i32
    %c0_i32_0 = arith.constant 0 : i32
    return %arg0, %c0_i32 : i32, i32
  }
  func.func @transform_2(%arg0: i32) -> (i32, i32) {
    %c0_i32 = arith.constant 0 : i32
    %c0_i32_0 = arith.constant 0 : i32
    return %arg0, %c0_i32 : i32, i32
  }
  func.func @transform_3(%arg0: i32) -> (i32, i32) {
    %c0_i32 = arith.constant 0 : i32
    %c0_i32_0 = arith.constant 0 : i32
    return %arg0, %c0_i32 : i32, i32
  }
  func.func @transform_4(%arg0: i32) -> (i32, i32) {
    %c0_i32 = arith.constant 0 : i32
    %c0_i32_0 = arith.constant 0 : i32
    %c0_i32_1 = arith.constant 0 : i32
    return %c0_i32, %c0_i32_0 : i32, i32
  }
  func.func @transform_5(%arg0: i32) -> (i32, i32) {
    %c0_i32 = arith.constant 0 : i32
    %c0_i32_0 = arith.constant 0 : i32
    %c0_i32_1 = arith.constant 0 : i32
    return %c0_i32, %c0_i32_0 : i32, i32
  }
  func.func @transform_6(%arg0: i32) -> (i32, i32) {
    %c0_i32 = arith.constant 0 : i32
    %c0_i32_0 = arith.constant 0 : i32
    %c0_i32_1 = arith.constant 0 : i32
    return %c0_i32, %c0_i32_0 : i32, i32
  }
  func.func @transform_7(%arg0: i32) -> (i32, i32) {
    %c0_i32 = arith.constant 0 : i32
    %c0_i32_0 = arith.constant 0 : i32
    return %arg0, %c0_i32 : i32, i32
  }
  func.func @transform_8(%arg0: i32) -> (i32, i32) {
    %c0_i32 = arith.constant 0 : i32
    %c0_i32_0 = arith.constant 0 : i32
    return %arg0, %c0_i32 : i32, i32
  }
}

module attributes {stable_mosaic.version = 14 : i64} {
  func.func @_comb_body(%arg0: i32, %arg1: memref<2000x128xf32, #tpu.memory_space<vmem>>, %arg2: memref<2000x128xf32, #tpu.memory_space<vmem>>, %arg3: memref<2000x128xf32, #tpu.memory_space<vmem>>, %arg4: memref<2000x128xf32, #tpu.memory_space<vmem>>, %arg5: memref<1x128xf32, #tpu.memory_space<vmem>>, %arg6: memref<2000x128xf32, #tpu.memory_space<vmem>>) attributes {dimension_semantics = [#tpu.dimension_semantics<arbitrary>], iteration_bounds = array<i64: 5>, scalar_prefetch = 0 : i64, scratch_operands = 0 : i64, tpu.core_type = #tpu.core_type<tc>, window_params = [{transform_indices = @transform_0, window_bounds = array<i64: 2000, 128>}, {transform_indices = @transform_1, window_bounds = array<i64: 2000, 128>}, {transform_indices = @transform_2, window_bounds = array<i64: 2000, 128>}, {transform_indices = @transform_3, window_bounds = array<i64: 2000, 128>}, {pipeline_mode = #tpu.pipeline_mode<synchronous>, transform_indices = @transform_4, window_bounds = array<i64: 1, 128>}, {transform_indices = @transform_5, window_bounds = array<i64: 2000, 128>}]} {
    %get3A = arith.constant 0 : index
    %get3A_0 = arith.constant 0 : index
    %get3A_1 = vector.load %arg1[%get3A, %get3A_0] : memref<2000x128xf32, #tpu.memory_space<vmem>>, vector<2000x128xf32>
    %get3A_2 = arith.constant 0 : index
    %get3A_3 = arith.constant 0 : index
    %get3A_4 = vector.load %arg2[%get3A_2, %get3A_3] : memref<2000x128xf32, #tpu.memory_space<vmem>>, vector<2000x128xf32>
    %add3A = arith.addf %get3A_1, %get3A_4 : vector<2000x128xf32>
    %get3A_5 = arith.constant 0 : index
    %get3A_6 = arith.constant 0 : index
    %get3A_7 = vector.load %arg3[%get3A_5, %get3A_6] : memref<2000x128xf32, #tpu.memory_space<vmem>>, vector<2000x128xf32>
    %div3A = arith.divf %add3A, %get3A_7 : vector<2000x128xf32>
    %get3A_8 = arith.constant 0 : index
    %get3A_9 = arith.constant 0 : index
    %get3A_10 = vector.load %arg5[%get3A_8, %get3A_9] : memref<1x128xf32, #tpu.memory_space<vmem>>, vector<1x128xf32>
    %add3A_11 = vector.broadcast %get3A_10 : vector<1x128xf32> to vector<2000x128xf32>
    %add3A_12 = arith.addf %div3A, %add3A_11 : vector<2000x128xf32>
    %get3A_13 = arith.constant 0 : index
    %get3A_14 = arith.constant 0 : index
    %get3A_15 = vector.load %arg4[%get3A_13, %get3A_14] : memref<2000x128xf32, #tpu.memory_space<vmem>>, vector<2000x128xf32>
    %add3A_16 = arith.addf %add3A_12, %get3A_15 : vector<2000x128xf32>
    %max3A = arith.constant 0.000000e+00 : f32
    %max3A_17 = vector.broadcast %max3A : f32 to vector<2000x128xf32>
    %max3A_18 = arith.maximumf %add3A_16, %max3A_17 : vector<2000x128xf32>
    %swap3A = arith.constant 0 : index
    %swap3A_19 = arith.constant 0 : index
    %swap3A_20 = vector.load %arg6[%swap3A, %swap3A_19] : memref<2000x128xf32, #tpu.memory_space<vmem>>, vector<2000x128xf32>
    tpu.vector_store %arg6[%swap3A, %swap3A_19], %max3A_18 {strides = array<i32>} : memref<2000x128xf32, #tpu.memory_space<vmem>>, vector<2000x128xf32>,
    return
  }
  func.func @transform_0(%arg0: i32) -> (i32, i32) {
    %c0_i32 = arith.constant 0 : i32
    %c0_i32_0 = arith.constant 0 : i32
    return %arg0, %c0_i32 : i32, i32
  }
  func.func @transform_1(%arg0: i32) -> (i32, i32) {
    %c0_i32 = arith.constant 0 : i32
    %c0_i32_0 = arith.constant 0 : i32
    return %arg0, %c0_i32 : i32, i32
  }
  func.func @transform_2(%arg0: i32) -> (i32, i32) {
    %c0_i32 = arith.constant 0 : i32
    %c0_i32_0 = arith.constant 0 : i32
    return %arg0, %c0_i32 : i32, i32
  }
  func.func @transform_3(%arg0: i32) -> (i32, i32) {
    %c0_i32 = arith.constant 0 : i32
    %c0_i32_0 = arith.constant 0 : i32
    return %arg0, %c0_i32 : i32, i32
  }
  func.func @transform_4(%arg0: i32) -> (i32, i32) {
    %c0_i32 = arith.constant 0 : i32
    %c0_i32_0 = arith.constant 0 : i32
    %c0_i32_1 = arith.constant 0 : i32
    return %c0_i32, %c0_i32_0 : i32, i32
  }
  func.func @transform_5(%arg0: i32) -> (i32, i32) {
    %c0_i32 = arith.constant 0 : i32
    %c0_i32_0 = arith.constant 0 : i32
    return %arg0, %c0_i32 : i32, i32
  }
}

</mosaic_0001>

<sc_bundles>
// kernel: kernel.13.cloned.1.call-start
scs
__scs_entry_jumppad:
0x0: {  	(pc) =	sbr.rel $0x88, $3  }
0x1: {  	(tag) =	ssettag $0x0;
	lr =	simm.s32 $0x1  }
0x2: {  	[smem:$0x3F91] =	sst lr;
	_ =	strace $0xD0000000  }
0x3: {  	_ = 	snop  }
0x4: {  	_ = 	snop  }
0x5: {  	_ = 	snop  }
0x6: {  	_ = 	snop  }
0x7: {  	_ = 	snop  }
__scs_overlays_trampoline_lowered:
0x8: {  	[smem:$0x3FA0] =	sst s0  }
0x9: {  	[smem:$0x3FA1] =	sst s1  }
0xa: {  	[smem:$0x3FA2] =	sst s2  }
0xb: {  	[smem:$0x3FA3] =	sst s3  }
0xc: {  	[smem:$0x3FA4] =	sst s4  }
0xd: {  	[smem:$0x3FA5] =	sst s5  }
0xe: {  	[smem:$0x3FA6] =	sst s6  }
0xf: {  	[smem:$0x3FA7] =	sst s7  }
0x10: {  	[smem:$0x3FA8] =	sst s8  }
0x11: {  	[smem:$0x3FA9] =	sst s9;
	s0 =	simm.s32 @!p0 $0x0  }
0x12: {  	s1 =	sld [smem:$0x3F8F];
	s0 =	simm.s32 @p0 $0x1  }
0x13: {  	[smem:$0x3FAA] =	sst s0;
	s0 =	simm.s32 @!p1 $0x0  }
0x14: {  	s2 =	sld [smem:$0x3F8E];
	s0 =	simm.s32 @p1 $0x1  }
0x15: {  	[smem:$0x3FAB] =	sst s0;
	s0 =	simm.s32 @!p2 $0x0  }
0x16: {  	s3 =	sld [smem:$0x3FDB];
	s0 =	simm.s32 @p2 $0x1  }
0x17: {  	s4 =	simm.s32 $0x1BF5;
	[smem:$0x3FAD] =	sst s0  }
0x18: {  	s0 =	sld [smem:$0x3F90];
	_ =	swait.ge [sflag:s4], $0x0  }
0x19: {  	s7 =	sld [smem:$0x3F91]  }
0x1a: {  	s8 =	sadd.s32 $0xFFFFE003, lr  }
0x1b: {  	s9 =	sadd.s32 $0xFFFFFEF7, lr;
	s5 =	simm.s32 $0xFFFFFFFF;
	p2 =	slt.u32 s8, $0xFFFFF086  }
0x1c: {  	p1 =	slt.u32 s9, $0xF7A;
	s5 =	simm.s32 @!p2 $0x0  }
0x1d: {  	s5 =	simm.s32 @p1 $0x1;
	p0 =	seq.s32 s7, s2  }
0x1e: {  	s7 =	smul.u32 @!p0 $0xF7A, s2;
	p2 =	seq.s32 @!p0 s5, $0x0  }
0x1f: {  	s9 =	smul.u32 $0xF7A, s1;
	s8 =	simm.s32 @!p0 $0x1BF5;
	p2 =	por !p2, p0  }
0x20: {  	[sflag:s8] =	ssyncset.s32 @!p0 $0xFFFFF086;
	s6 =	sadd.s32 @!p0 s3, s7;
	s7 =	simm.s32 @!p0 $0x108  }
0x21: {  	s3 =	sadd.s32 s3, s9;
	s6 =	sadd.s32 @!p0 $0x88, s6;
	s7 =	simm.s32 @p2 $0x1082  }
0x22: {  	[simem:s7], [sflag:s8] =	dma.local @!p0 [hbm:s6], $0xF7A  }
0x23: {  	s9 =	sor.u32 $0xD0000000, s2;
	s6 =	simm.s32 $0x108;
	_ =	swait.ge @!p0 [sflag:s8], $0x0  }
0x24: {  	s3 =	sadd.s32 $0x88, s3;
	s6 =	simm.s32 @!p1 $0x1082;
	[sflag:s4] =	ssyncset.s32 $0xFFFFF086  }
0x25: {  	[simem:s6], [sflag:s4] =	dma.local [hbm:s3], $0xF7A  }
0x26: {  	[smem:$0x3F91] =	sst s1;
	(tag) =	ssettag s2;
	_ =	strace s9  }
0x27: {  	s1 =	sld [smem:$0x3FA1]  }
0x28: {  	s2 =	sld [smem:$0x3FA2]  }
0x29: {  	s4 =	sld [smem:$0x3FA4]  }
0x2a: {  	p0 =	seq.s32 s5, $0x0;
	s5 =	sld [smem:$0x3FA5]  }
0x2b: {  	s6 =	sld [smem:$0x3FA6]  }
0x2c: {  	s7 =	sld [smem:$0x3FA7]  }
0x2d: {  	s3 =	simm.s32 $0x108;
	s8 =	sld [smem:$0x3FA8]  }
0x2e: {  	s3 =	simm.s32 @!p0 $0x1082;
	s9 =	sld [smem:$0x3FA9]  }
0x2f: {  	lr =	sadd.s32 s0, s3;
	s0 =	sld [smem:$0x3FA0]  }
0x30: {  	s3 =	sld [smem:$0x3FA3]  }
0x31: {  	[smem:$0x3FAC] =	sst s10  }
0x32: {  	s10 =	sld [smem:$0x3FAA];
	_ =	sdelay $0x3  }
0x33: {  	p0 =	seq.s32 s10, $0x1;
	s10 =	sld [smem:$0x3FAC];
	_ =	sdelay $0x3  }
0x34: {  	[smem:$0x3FAC] =	sst s10  }
0x35: {  	s10 =	sld [smem:$0x3FAB];
	_ =	sdelay $0x3  }
0x36: {  	p1 =	seq.s32 s10, $0x1;
	s10 =	sld [smem:$0x3FAC];
	_ =	sdelay $0x3  }
0x37: {  	[smem:$0x3FAC] =	sst s10  }
0x38: {  	s10 =	sld [smem:$0x3FAD]  }
0x39: {  	_ = 	snop;
	(pc) =	sbr.ind lr, $3  }
0x3a: {  	_ = 	snop  }
0x3b: {  	_ = 	snop  }
0x3c: {  	p2 =	seq.s32 s10, $0x1;
	s10 =	sld [smem:$0x3FAC]  }
0x3d: {  	_ =	shalt  }
0x3e: {  	_ =	shalt  }
0x3f: {  	_ =	shalt  }
0x40: {  	_ =	shalt  }
0x41: {  	_ =	shalt  }
0x42: {  	_ =	shalt  }
0x43: {  	_ =	shalt  }
0x44: {  	_ =	shalt  }
0x45: {  	_ =	shalt  }
0x46: {  	_ =	shalt  }
0x47: {  	_ =	shalt  }
0x48: {  	_ =	shalt  }
0x49: {  	_ =	shalt  }
0x4a: {  	_ =	shalt  }
0x4b: {  	_ =	shalt  }
0x4c: {  	_ =	shalt  }
0x4d: {  	_ =	shalt  }
0x4e: {  	_ =	shalt  }
0x4f: {  	_ =	shalt  }
0x50: {  	_ =	shalt  }
0x51: {  	_ =	shalt  }
0x52: {  	_ =	shalt  }
0x53: {  	_ =	shalt  }
0x54: {  	_ =	shalt  }
0x55: {  	_ =	shalt  }
0x56: {  	_ =	shalt  }
0x57: {  	_ =	shalt  }
0x58: {  	_ =	shalt  }
0x59: {  	_ =	shalt  }
0x5a: {  	_ =	shalt  }
0x5b: {  	_ =	shalt  }
0x5c: {  	_ =	shalt  }
0x5d: {  	_ =	shalt  }
0x5e: {  	_ =	shalt  }
0x5f: {  	_ =	shalt  }
0x60: {  	_ =	shalt  }
0x61: {  	_ =	shalt  }
0x62: {  	_ =	shalt  }
0x63: {  	_ =	shalt  }
0x64: {  	_ =	shalt  }
0x65: {  	_ =	shalt  }
0x66: {  	_ =	shalt  }
0x67: {  	_ =	shalt  }
0x68: {  	_ =	shalt  }
0x69: {  	_ =	shalt  }
0x6a: {  	_ =	shalt  }
0x6b: {  	_ =	shalt  }
0x6c: {  	_ =	shalt  }
0x6d: {  	_ =	shalt  }
0x6e: {  	_ =	shalt  }
0x6f: {  	_ =	shalt  }
0x70: {  	_ =	shalt  }
0x71: {  	_ =	shalt  }
0x72: {  	_ =	shalt  }
0x73: {  	_ =	shalt  }
0x74: {  	_ =	shalt  }
0x75: {  	_ =	shalt  }
0x76: {  	_ =	shalt  }
0x77: {  	_ =	shalt  }
0x78: {  	_ =	shalt  }
0x79: {  	_ =	shalt  }
0x7a: {  	_ =	shalt  }
0x7b: {  	_ =	shalt  }
0x7c: {  	_ =	shalt  }
0x7d: {  	_ =	shalt  }
0x7e: {  	_ =	shalt  }
0x7f: {  	_ =	shalt  }
0x80: {  	_ =	shalt  }
0x81: {  	_ =	shalt  }
0x82: {  	_ =	shalt  }
0x83: {  	_ =	shalt  }
0x84: {  	_ =	shalt  }
0x85: {  	_ =	shalt  }
0x86: {  	_ =	shalt  }
0x87: {  	_ =	shalt  }
.Lfunc_end0:
.L_simem_size_0:
called_computation_lowered:
.L_overlay_start_0:
0x88: {  	s2 =	sld [smem:$0x3FD9]  }
0x89: {  	s3 =	sld [smem:$0x3FFE];
	_ =	sdelay $0x1  }
0x8a: {  	s1 =	srdreg.scid  }
0x8b: {  	s0 =	sand.u32 $0x1, s1  }
0x8c: {  	s16 =	sshll.u32 s0, $0xA;
	s2 =	sadd.s32 s3, s2  }
0x8d: {  	s2 =	sadd.s32 s2, s16  }
0x8e: {  	[smem:$0x3FB8] =	sst s2  }
0x8f: {  	_ = 	snop  }
0x90: {  	(tm) =	ssettm $0x1  }
0x91: {  	s17 =	sld [smem:$0x3FFB];
	_ =	sdelay $0x3  }
0x92: {  	_ =	strace s17  }
0x93: {  	s2 =	sld [smem:$0x3FFC];
	_ =	sdelay $0x3  }
0x94: {  	_ =	strace s2  }
0x95: {  	s2 =	sld [smem:$0x3FFD];
	_ =	sdelay $0x3  }
0x96: {  	_ =	strace s2  }
0x97: {  	_ =	strace $0x8FFFFFFF  }
0x98: {  	s18 =	sld [smem:$0x3FDB];
	_ =	sdelay $0x1  }
0x99: {  	s19 =	simm.s32 $_scs_section_size  }
0x9a: {  	s4 =	simm.s32 $_size__tile_overlayer_lowered;
	s5 =	simm.s32 $_tile_overlayer_lowered  }
0x9b: {  	s22 =	simm.s32 $0x1BFF;
	s21 =	sshll.u32 s5, $0x1;
	s2 =	sadd.s32 s19, s18  }
0x9c: {  	s6 =	simm.s32 $0x0;
	s20 =	sshll.u32 s4, $0x1;
	s4 =	sadd.s32 s21, s2  }
0x9d: {  	[timem:s6], [sflag:s22] =	dma.local [hbm:s4], s20  }
0x9e: {  	_ =	swait.ge [sflag:s22], s20  }
0x9f: {  	s3 =	ssub.s32 $0x0, s20;
	[sflag:s22] =	ssyncset.done $0x0  }
0xa0: {  	[sflag:s22] =	ssyncadd.s32 s3;
	_ =	sdelay $0x1  }
0xa1: {  	s23 =	simm.s32 $0x1B8B  }
0xa2: {  	_ =	swait.ge [sflag:s23], $0x1  }
0xa3: {  	[sflag:s23] =	ssyncset.done $0x0  }
0xa4: {  	s25 =	simm.s32 $0x1B8E;
	s24 =	sld [smem:$0x3FFE];
	[sflag:s23] =	ssyncadd.s32 $0xFFFFFFFF  }
0xa5: {  	s26 =	simm.s32 $execute0_lowered;
	[smem:$0x3FD2] =	sst s25  }
0xa6: {  	s4 =	sshll.u32 s26, $0x1;
	_ =	strace $0x80000046;
	[dreg:$0x1] =	wrdreg $0xFFFFFFFF  }
0xa7: {  	s28 =	simm.s32 $_size_execute0_lowered;
	s2 =	sadd.s32 s2, s4;
	[dreg:$0x0] =	wrdreg $0x0  }
0xa8: {  	s4 =	sshll.u32 s28, $0x1;
	[dreg:$0x2] =	wrdreg s2  }
0xa9: {  	[dreg:$0x3] =	wrdreg s4  }
0xaa: {  	[dreg:$0x4] =	wrdreg $0xC0  }
0xab: {  	_ =	task [dreg:s6], $0x5FFFF  }
0xac: {  	[dreg:$0x1] =	wrdreg $0xFFFFFFFF  }
0xad: {  	[dreg:$0x0] =	wrdreg $0x60  }
0xae: {  	[dreg:$0x2] =	wrdreg s24  }
0xaf: {  	[dreg:$0x3] =	wrdreg $0x68000  }
0xb0: {  	[dreg:$0x4] =	wrdreg $0x9  }
0xb1: {  	_ =	task.clear_ibuf [dreg:s6], $0x5FFFF;
	_ =	strace $0x90000046  }
0xb2: {  	s29 =	simm.s32 $0x9;
	_ =	strace $0x80000048  }
0xb3: {  	_ =	swait.ge [sflag:s29], $0x1  }
0xb4: {  	[sflag:s29] =	ssyncadd.s32 $0xFFFFFFFF  }
0xb5: {  	_ =	strace $0x90000048  }
0xb6: {  	_ =	sfence  }
0xb7: {  	s30 =	sld [smem:$0x0];
	_ =	sdelay $0x2  }
0xb8: {  	s31 =	sshll.u32 s1, $0xD;
	s1 =	sshrl.u32 s1, $0x2  }
0xb9: {  	s3 =	sand.u32 $0x4000, s31;
	s1 =	sadd.s32 s1, s30  }
0xba: {  	s0 =	sor.u32 s3, s0;
	s1 =	sshll.u32 s1, $0x11  }
0xbb: {  	s0 =	sor.u32 s1, s0  }
0xbc: {  	s0 =	sadd.s32 $0x8F2B, s0  }
0xbd: {  	[sflag:s0] =	ssyncadd.remote.s32 $0x1  }
0xbe: {  	_ =	sfence.sel $0xFFFF  }
0xbf: {  	[dreg:$0x0] =	wrdreg $0xFFFFFFFF;
	(pc) =	sbr.abs _section_cstart, $3  }
0xc0: {  	[dreg:$0x1] =	wrdreg $0xFFFFFFFF  }
0xc1: {  	_ =	task.clear_ibuf [dreg:s6], $0x2FFFF;
	_ =	strace $0x9FFFFFFF  }
0xc2: {  	(tm) =	ssettm $0x7FFFFFFF  }
0xc3: {  	_ =	shalt  }
tec
execute0_lowered:
.L_overlay_start_1:
0x0: {  	(tag) =	ssettag $0x1  }
0x1: {  	s4 =	rddreg [dreg:$0x0]  }
0x2: {  	s2 =	rddreg [dreg:$0x1]  }
0x3: {  	s0 =	rddreg [dreg:$0x2]  }
0x4: {  	s1 =	stileid.u32;
	s5 =	srdreg.scid  }
0x5: {  	s3 =	simm.s32 $0x0;
	s12 =	simm.s32 $0x4000;
	s13 =	simm.s32 $0x0  }
0x6: {  	s6 =	smul.u32 $0x2800, s1;
	s5 =	sand.u32 $0x1, s5;
	[smem:$0x7FF] =	sst s3  }
0x7: {  	s7 =	sshll.u32 s1, $0xB;
	s9 =	smul.u32 $0x50000, s1;
	s31 =	sshll.u32 s1, $0x6  }
0x8: {  	s8 =	smul.u32 $0x28000, s5;
	_ =	strace $0x80000047;
	s7 =	sadd.s32 s7, s4  }
0x9: {  	s28 =	ssub.s32 $0x2, s5;
	s5 =	sshll.u32 s5, $0xF;
	s10 =	sadd.s32 s6, s4  }
0xa: {  	s29 =	sshrl.u32 s28, $0x1;
	s30 =	sshrl.u32 s9, $0x2;
	s7 =	sadd.s32 s5, s7  }
0xb: {  	s5 =	sor.u32 $0x1C01, s31;
	s6 =	sadd.s32 s6, s8;
	s8 =	ssub.s32 s28, s29  }
0xc: {  	s9 =	sadd.s32 s30, s2;
	s11 =	sadd.s32 s6, s4;
	s4 =	sadd.s32 $0x15C00, s10  }
0xd: {  	s6 =	sadd.s32 $0x5C00, s7;
	s8 =	smax.u32 s8, $0x1;
	s9 =	sshrl.u32 s9, $0x3  }
0xe: {  	v0 =	vimm.f32 $1.000000000e+00;
	s10 =	simm.s32 $0x1;
	s7 =	sadd.s32 $0x3DC00, s11;
	s11 =	simm.s32 $0x50  }
.LBB2_1:
0xf: {  	[spmem:s9], [sflag:s5] =	dma.local [hbm:s4], $0x2800  }
0x10: {  	_ =	swait.ge [sflag:s10], $0x2800  }
0x11: {  	[sflag:s10] =	ssyncset.done $0x0  }
0x12: {  	[sflag:s10] =	ssyncadd.s32 $0xFFFFD800  }
0x13: {  	[tilespmem:s3], [sflag:$0x1] =	stream.linear.gather [hbm4b:s6+s3], $0x3E80, $0x38;
	[tilespmem:$0x1A800] =	vst v63  }
0x14: {  	_ =	swait.ge [sflag:s10], $0x3E80  }
0x15: {  	[sflag:s10] =	ssyncset.done $0x0  }
0x16: {  	s14 =	simm.s32 $0x0;
	s15 =	simm.s32 $0x200;
	[sflag:s10] =	ssyncadd.s32 $0xFFFFC180  }
.LBB2_2:
0x17: {  	p0 =	sne.s32 s15, $0x9E00;
	[tilespmem:s14+$0x4070] =	vst v0  }
0x18: {  	[tilespmem:s14+$0x4000] =	vst v0  }
0x19: {  	[tilespmem:s14+$0x4010] =	vst v0  }
.Ltmp0:
0x1a: {  	[tilespmem:s14+$0x4020] =	vst v0;
	(pc) =	sbr.rel @p0 .LBB2_2-.Ltmp0, $4  }
0x1b: {  	[tilespmem:s14+$0x4030] =	vst v0  }
0x1c: {  	[tilespmem:s14+$0x4040] =	vst v0  }
0x1d: {  	[tilespmem:s14+$0x4050] =	vst v0  }
0x1e: {  	[tilespmem:s14+$0x4060] =	vst v0;
	s14 =	sshra.s32 s15, $0x2;
	s15 =	sadd.s32 $0x200, s15  }
0x1f: {  	[tilespmem:s14+$0x4070] =	vst v0  }
0x20: {  	[tilespmem:s14+$0x4000] =	vst v0  }
0x21: {  	[tilespmem:s14+$0x4010] =	vst v0  }
0x22: {  	[tilespmem:s14+$0x4020] =	vst v0  }
0x23: {  	[tilespmem:s14+$0x4030] =	vst v0  }
0x24: {  	[tilespmem:s14+$0x4040] =	vst v0  }
0x25: {  	[tilespmem:s14+$0x4050] =	vst v0  }
0x26: {  	[tilespmem:s14+$0x4060] =	vst v0  }
0x27: {  	s31 =	simm.s32 $0x0;
	[bflag:$0x0] =	sbarrier.arrive $0xFFFF  }
0x28: {  	[spmem:s2] =	stream.indirect.scatter.add.f32 [tilespmem:s12], [sflag:$0x1], $0x80, s31, s11, $0xb8;
	[tilespmem:$0x1A800] =	vst v63  }
0x29: {  	_ =	swait.ge [sflag:s10], $0x2800  }
0x2a: {  	s14 =	simm.s32 $0x200;
	[sflag:s10] =	ssyncset.done $0x0  }
.LBB2_4:
0x2b: {  	s15 =	sshra.s32 s14, $0x2;
	[sflag:s10] =	ssyncadd.s32 $0xFFFFD800;
	p0 =	sne.s32 s14, $0xF800  }
0x2c: {  	[spmem:s2] =	stream.indirect.scatter.add.f32 [tilespmem:s12], [sflag:$0x1], $0x80, s15, s11, $0xb8;
	[tilespmem:$0x1A800] =	vst v63  }
.Ltmp1:
0x2d: {  	_ = 	snop;
	(pc) =	sbr.rel @p0 .LBB2_4-.Ltmp1, $4  }
0x2e: {  	_ = 	snop  }
0x2f: {  	s14 =	sadd.s32 $0x200, s14  }
0x30: {  	_ =	swait.ge [sflag:s10], $0x2800  }
0x31: {  	[sflag:s10] =	ssyncset.done $0x0  }
0x32: {  	s13 =	sadd.s32 $0x1, s13  }
0x33: {  	[sflag:s10] =	ssyncadd.s32 $0xFFFFD800;
	p0 =	sne.s32 s13, s8  }
.Ltmp2:
0x34: {  	[bflag:$0x0] =	sbarrier.arrive $0xFFFF;
	(pc) =	sbr.rel @p0 .LBB2_1-.Ltmp2, $4  }
0x35: {  	[hbm:s7], [sflag:s5] =	dma.local [spmem:s9], $0x2800  }
0x36: {  	_ =	swait.ge [sflag:s10], $0x2800  }
0x37: {  	[sflag:s10] =	ssyncset.done $0x0  }
0x38: {  	[sflag:s10] =	ssyncadd.s32 $0xFFFFD800  }
0x39: {  	_ =	sfence.sel $0x180000  }
0x3a: {  	[bflag:$0x0] =	sbarrier.arrive $0xFFFF  }
0x3b: {  	p0 =	sne.s32 s1, $0x0;
	_ =	strace $0x90000047  }
0x3c: {  	s0 =	sadd.s32 @!p0 $0x100000, s0;
	[bflag:$0x2] =	sbarrier.arrive $0xFFFF  }
0x3d: {  	[sflag:s0] =	ssyncadd.tile.s32 @!p0 $0x1;
	_ =	shalt  }
.Lfunc_end2:
_tile_overlayer_lowered:
.L_overlay_start_2:
0x3e: {  	(tag) =	ssettag $0x2  }
0x3f: {  	s0 =	rddreg [dreg:$0x0];
	s2 =	stileid.u32  }
0x40: {  	s1 =	rddreg [dreg:$0x1];
	p0 =	sne.s32 s2, $0x0  }
0x41: {  	s3 =	rddreg [dreg:$0x2];
	[bflag:$0x3] =	sbarrier.arrive $0xFFFF;
	s2 =	simm.s32 @!p0 $0x1C01  }
0x42: {  	[timem:s3], [sflag:s2] =	dma.local @!p0 [hbm:s0], s1  }
0x43: {  	s0 =	simm.s32 @!p0 $0x1  }
0x44: {  	_ =	swait.ge @!p0 [sflag:s0], s1  }
0x45: {  	s1 =	ssub.s32 @!p0 $0x0, s1;
	[sflag:s0] =	ssyncset.done @!p0 $0x0  }
0x46: {  	[sflag:s0] =	ssyncadd.s32 @!p0 s1  }
0x47: {  	[bflag:$0x3] =	sbarrier.arrive $0xFFFF  }
0x48: {  	_ =	shalt  }

// kernel: kernel.16.cloned.1.call-start
scs
__scs_entry_jumppad:
0x0: {  	(pc) =	sbr.rel $0x88, $3  }
0x1: {  	(tag) =	ssettag $0x0;
	lr =	simm.s32 $0x1  }
0x2: {  	[smem:$0x3F91] =	sst lr;
	_ =	strace $0xD0000000  }
0x3: {  	_ = 	snop  }
0x4: {  	_ = 	snop  }
0x5: {  	_ = 	snop  }
0x6: {  	_ = 	snop  }
0x7: {  	_ = 	snop  }
__scs_overlays_trampoline_lowered:
0x8: {  	[smem:$0x3FA0] =	sst s0  }
0x9: {  	[smem:$0x3FA1] =	sst s1  }
0xa: {  	[smem:$0x3FA2] =	sst s2  }
0xb: {  	[smem:$0x3FA3] =	sst s3  }
0xc: {  	[smem:$0x3FA4] =	sst s4  }
0xd: {  	[smem:$0x3FA5] =	sst s5  }
0xe: {  	[smem:$0x3FA6] =	sst s6  }
0xf: {  	[smem:$0x3FA7] =	sst s7  }
0x10: {  	[smem:$0x3FA8] =	sst s8  }
0x11: {  	[smem:$0x3FA9] =	sst s9;
	s0 =	simm.s32 @!p0 $0x0  }
0x12: {  	s1 =	sld [smem:$0x3F8F];
	s0 =	simm.s32 @p0 $0x1  }
0x13: {  	[smem:$0x3FAA] =	sst s0;
	s0 =	simm.s32 @!p1 $0x0  }
0x14: {  	s2 =	sld [smem:$0x3F8E];
	s0 =	simm.s32 @p1 $0x1  }
0x15: {  	[smem:$0x3FAB] =	sst s0;
	s0 =	simm.s32 @!p2 $0x0  }
0x16: {  	s3 =	sld [smem:$0x3FDB];
	s0 =	simm.s32 @p2 $0x1  }
0x17: {  	s4 =	simm.s32 $0x1BF5;
	[smem:$0x3FAD] =	sst s0  }
0x18: {  	s0 =	sld [smem:$0x3F90];
	_ =	swait.ge [sflag:s4], $0x0  }
0x19: {  	s7 =	sld [smem:$0x3F91]  }
0x1a: {  	s8 =	sadd.s32 $0xFFFFE003, lr  }
0x1b: {  	s9 =	sadd.s32 $0xFFFFFEF7, lr;
	s5 =	simm.s32 $0xFFFFFFFF;
	p2 =	slt.u32 s8, $0xFFFFF086  }
0x1c: {  	p1 =	slt.u32 s9, $0xF7A;
	s5 =	simm.s32 @!p2 $0x0  }
0x1d: {  	s5 =	simm.s32 @p1 $0x1;
	p0 =	seq.s32 s7, s2  }
0x1e: {  	s7 =	smul.u32 @!p0 $0xF7A, s2;
	p2 =	seq.s32 @!p0 s5, $0x0  }
0x1f: {  	s9 =	smul.u32 $0xF7A, s1;
	s8 =	simm.s32 @!p0 $0x1BF5;
	p2 =	por !p2, p0  }
0x20: {  	[sflag:s8] =	ssyncset.s32 @!p0 $0xFFFFF086;
	s6 =	sadd.s32 @!p0 s3, s7;
	s7 =	simm.s32 @!p0 $0x108  }
0x21: {  	s3 =	sadd.s32 s3, s9;
	s6 =	sadd.s32 @!p0 $0x88, s6;
	s7 =	simm.s32 @p2 $0x1082  }
0x22: {  	[simem:s7], [sflag:s8] =	dma.local @!p0 [hbm:s6], $0xF7A  }
0x23: {  	s9 =	sor.u32 $0xD0000000, s2;
	s6 =	simm.s32 $0x108;
	_ =	swait.ge @!p0 [sflag:s8], $0x0  }
0x24: {  	s3 =	sadd.s32 $0x88, s3;
	s6 =	simm.s32 @!p1 $0x1082;
	[sflag:s4] =	ssyncset.s32 $0xFFFFF086  }
0x25: {  	[simem:s6], [sflag:s4] =	dma.local [hbm:s3], $0xF7A  }
0x26: {  	[smem:$0x3F91] =	sst s1;
	(tag) =	ssettag s2;
	_ =	strace s9  }
0x27: {  	s1 =	sld [smem:$0x3FA1]  }
0x28: {  	s2 =	sld [smem:$0x3FA2]  }
0x29: {  	s4 =	sld [smem:$0x3FA4]  }
0x2a: {  	p0 =	seq.s32 s5, $0x0;
	s5 =	sld [smem:$0x3FA5]  }
0x2b: {  	s6 =	sld [smem:$0x3FA6]  }
0x2c: {  	s7 =	sld [smem:$0x3FA7]  }
0x2d: {  	s3 =	simm.s32 $0x108;
	s8 =	sld [smem:$0x3FA8]  }
0x2e: {  	s3 =	simm.s32 @!p0 $0x1082;
	s9 =	sld [smem:$0x3FA9]  }
0x2f: {  	lr =	sadd.s32 s0, s3;
	s0 =	sld [smem:$0x3FA0]  }
0x30: {  	s3 =	sld [smem:$0x3FA3]  }
0x31: {  	[smem:$0x3FAC] =	sst s10  }
0x32: {  	s10 =	sld [smem:$0x3FAA];
	_ =	sdelay $0x3  }
0x33: {  	p0 =	seq.s32 s10, $0x1;
	s10 =	sld [smem:$0x3FAC];
	_ =	sdelay $0x3  }
0x34: {  	[smem:$0x3FAC] =	sst s10  }
0x35: {  	s10 =	sld [smem:$0x3FAB];
	_ =	sdelay $0x3  }
0x36: {  	p1 =	seq.s32 s10, $0x1;
	s10 =	sld [smem:$0x3FAC];
	_ =	sdelay $0x3  }
0x37: {  	[smem:$0x3FAC] =	sst s10  }
0x38: {  	s10 =	sld [smem:$0x3FAD]  }
0x39: {  	_ = 	snop;
	(pc) =	sbr.ind lr, $3  }
0x3a: {  	_ = 	snop  }
0x3b: {  	_ = 	snop  }
0x3c: {  	p2 =	seq.s32 s10, $0x1;
	s10 =	sld [smem:$0x3FAC]  }
0x3d: {  	_ =	shalt  }
0x3e: {  	_ =	shalt  }
0x3f: {  	_ =	shalt  }
0x40: {  	_ =	shalt  }
0x41: {  	_ =	shalt  }
0x42: {  	_ =	shalt  }
0x43: {  	_ =	shalt  }
0x44: {  	_ =	shalt  }
0x45: {  	_ =	shalt  }
0x46: {  	_ =	shalt  }
0x47: {  	_ =	shalt  }
0x48: {  	_ =	shalt  }
0x49: {  	_ =	shalt  }
0x4a: {  	_ =	shalt  }
0x4b: {  	_ =	shalt  }
0x4c: {  	_ =	shalt  }
0x4d: {  	_ =	shalt  }
0x4e: {  	_ =	shalt  }
0x4f: {  	_ =	shalt  }
0x50: {  	_ =	shalt  }
0x51: {  	_ =	shalt  }
0x52: {  	_ =	shalt  }
0x53: {  	_ =	shalt  }
0x54: {  	_ =	shalt  }
0x55: {  	_ =	shalt  }
0x56: {  	_ =	shalt  }
0x57: {  	_ =	shalt  }
0x58: {  	_ =	shalt  }
0x59: {  	_ =	shalt  }
0x5a: {  	_ =	shalt  }
0x5b: {  	_ =	shalt  }
0x5c: {  	_ =	shalt  }
0x5d: {  	_ =	shalt  }
0x5e: {  	_ =	shalt  }
0x5f: {  	_ =	shalt  }
0x60: {  	_ =	shalt  }
0x61: {  	_ =	shalt  }
0x62: {  	_ =	shalt  }
0x63: {  	_ =	shalt  }
0x64: {  	_ =	shalt  }
0x65: {  	_ =	shalt  }
0x66: {  	_ =	shalt  }
0x67: {  	_ =	shalt  }
0x68: {  	_ =	shalt  }
0x69: {  	_ =	shalt  }
0x6a: {  	_ =	shalt  }
0x6b: {  	_ =	shalt  }
0x6c: {  	_ =	shalt  }
0x6d: {  	_ =	shalt  }
0x6e: {  	_ =	shalt  }
0x6f: {  	_ =	shalt  }
0x70: {  	_ =	shalt  }
0x71: {  	_ =	shalt  }
0x72: {  	_ =	shalt  }
0x73: {  	_ =	shalt  }
0x74: {  	_ =	shalt  }
0x75: {  	_ =	shalt  }
0x76: {  	_ =	shalt  }
0x77: {  	_ =	shalt  }
0x78: {  	_ =	shalt  }
0x79: {  	_ =	shalt  }
0x7a: {  	_ =	shalt  }
0x7b: {  	_ =	shalt  }
0x7c: {  	_ =	shalt  }
0x7d: {  	_ =	shalt  }
0x7e: {  	_ =	shalt  }
0x7f: {  	_ =	shalt  }
0x80: {  	_ =	shalt  }
0x81: {  	_ =	shalt  }
0x82: {  	_ =	shalt  }
0x83: {  	_ =	shalt  }
0x84: {  	_ =	shalt  }
0x85: {  	_ =	shalt  }
0x86: {  	_ =	shalt  }
0x87: {  	_ =	shalt  }
.Lfunc_end0:
.L_simem_size_0:
called_computation.1_lowered:
.L_overlay_start_0:
0x88: {  	s2 =	sld [smem:$0x3FD9]  }
0x89: {  	s3 =	sld [smem:$0x3FFE];
	_ =	sdelay $0x1  }
0x8a: {  	s1 =	srdreg.scid  }
0x8b: {  	s0 =	sand.u32 $0x1, s1  }
0x8c: {  	s17 =	sshll.u32 s0, $0xA;
	s2 =	sadd.s32 s3, s2  }
0x8d: {  	s2 =	sadd.s32 s2, s17  }
0x8e: {  	[smem:$0x3FB8] =	sst s2  }
0x8f: {  	_ = 	snop  }
0x90: {  	s2 =	sld [smem:$0x3FD0];
	(tm) =	ssettm $0x1  }
0x91: {  	s18 =	sld [smem:$0x3FFB];
	_ =	sdelay $0x3  }
0x92: {  	_ =	strace s18  }
0x93: {  	s3 =	sld [smem:$0x3FFC];
	_ =	sdelay $0x3  }
0x94: {  	_ =	strace s3  }
0x95: {  	s3 =	sld [smem:$0x3FFD];
	_ =	sdelay $0x3  }
0x96: {  	_ =	strace s3  }
0x97: {  	_ =	strace $0x8FFFFFFF  }
0x98: {  	s19 =	sld [smem:$0x3FDB];
	_ =	sdelay $0x1  }
0x99: {  	s4 =	simm.s32 $_scs_section_size  }
0x9a: {  	s5 =	simm.s32 $_size__tile_overlayer_lowered;
	s6 =	simm.s32 $_tile_overlayer_lowered  }
0x9b: {  	s22 =	simm.s32 $0x1BFF;
	s21 =	sshll.u32 s6, $0x1;
	s3 =	sadd.s32 s4, s19  }
0x9c: {  	s7 =	simm.s32 $0x0;
	s20 =	sshll.u32 s5, $0x1;
	s5 =	sadd.s32 s21, s3  }
0x9d: {  	[timem:s7], [sflag:s22] =	dma.local [hbm:s5], s20  }
0x9e: {  	_ =	swait.ge [sflag:s22], s20  }
0x9f: {  	s4 =	ssub.s32 $0x0, s20;
	[sflag:s22] =	ssyncset.done $0x0  }
0xa0: {  	[sflag:s22] =	ssyncadd.s32 s4;
	_ =	sdelay $0x1  }
0xa1: {  	s23 =	simm.s32 $0x1B8B  }
0xa2: {  	_ =	swait.ge [sflag:s23], $0x1  }
0xa3: {  	[sflag:s23] =	ssyncset.done $0x0  }
0xa4: {  	s25 =	simm.s32 $0x1B8E;
	s24 =	sld [smem:$0x3FFE];
	[sflag:s23] =	ssyncadd.s32 $0xFFFFFFFF  }
0xa5: {  	s26 =	simm.s32 $execute0_lowered;
	[smem:$0x3FD2] =	sst s25  }
0xa6: {  	s5 =	sshll.u32 s26, $0x1;
	_ =	strace $0x80000049;
	[dreg:$0x1] =	wrdreg $0xFFFFFFFF  }
0xa7: {  	s28 =	simm.s32 $_size_execute0_lowered;
	s3 =	sadd.s32 s3, s5;
	[dreg:$0x0] =	wrdreg $0x0  }
0xa8: {  	s5 =	sshll.u32 s28, $0x1;
	[dreg:$0x2] =	wrdreg s3  }
0xa9: {  	[dreg:$0x3] =	wrdreg s5  }
0xaa: {  	[dreg:$0x4] =	wrdreg $0xC0  }
0xab: {  	_ =	task [dreg:s7], $0x5FFFF  }
0xac: {  	[dreg:$0x1] =	wrdreg $0xFFFFFFFF  }
0xad: {  	[dreg:$0x0] =	wrdreg $0x60  }
0xae: {  	[dreg:$0x2] =	wrdreg s2  }
0xaf: {  	[dreg:$0x3] =	wrdreg s24  }
0xb0: {  	[dreg:$0x4] =	wrdreg $0xA8000  }
0xb1: {  	[dreg:$0x5] =	wrdreg $0x9  }
0xb2: {  	_ =	task.clear_ibuf [dreg:s7], $0x6FFFF;
	_ =	strace $0x90000049  }
0xb3: {  	s29 =	simm.s32 $0x9;
	_ =	strace $0x8000004B  }
0xb4: {  	_ =	swait.ge [sflag:s29], $0x1  }
0xb5: {  	[sflag:s29] =	ssyncadd.s32 $0xFFFFFFFF  }
0xb6: {  	_ =	strace $0x9000004B  }
0xb7: {  	_ =	sfence  }
0xb8: {  	s30 =	sld [smem:$0x0];
	_ =	sdelay $0x2  }
0xb9: {  	s31 =	sshll.u32 s1, $0xD;
	s1 =	sshrl.u32 s1, $0x2  }
0xba: {  	s3 =	sand.u32 $0x4000, s31;
	s1 =	sadd.s32 s1, s30  }
0xbb: {  	s0 =	sor.u32 s3, s0;
	s1 =	sshll.u32 s1, $0x11  }
0xbc: {  	s0 =	sor.u32 s1, s0  }
0xbd: {  	s0 =	sadd.s32 $0x8F2B, s0  }
0xbe: {  	[sflag:s0] =	ssyncadd.remote.s32 $0x1  }
0xbf: {  	_ =	sfence.sel $0xFFFF  }
0xc0: {  	[dreg:$0x0] =	wrdreg $0xFFFFFFFF;
	(pc) =	sbr.abs _section_cstart, $3  }
0xc1: {  	[dreg:$0x1] =	wrdreg $0xFFFFFFFF  }
0xc2: {  	_ =	task.clear_ibuf [dreg:s7], $0x2FFFF;
	_ =	strace $0x9FFFFFFF  }
0xc3: {  	(tm) =	ssettm $0x7FFFFFFF  }
tec
execute0_lowered:
.L_overlay_start_1:
0x0: {  	(tag) =	ssettag $0x1  }
0x1: {  	s1 =	rddreg [dreg:$0x0]  }
0x2: {  	s5 =	rddreg [dreg:$0x1]  }
0x3: {  	s2 =	rddreg [dreg:$0x2]  }
0x4: {  	s0 =	rddreg [dreg:$0x3];
	s4 =	simm.s32 $0x0;
	s6 =	srdreg.scid  }
0x5: {  	s3 =	stileid.u32;
	s15 =	simm.s32 $0x8000;
	s16 =	simm.s32 $0x1  }
0x6: {  	s17 =	simm.s32 $0x0;
	[smem:$0x7FF] =	sst s4;
	s9 =	smul.u32 $0x2800, s3  }
0x7: {  	s6 =	sand.u32 $0x1, s6;
	s8 =	sshll.u32 s3, $0xB;
	s28 =	smul.u32 $0x50000, s3  }
0x8: {  	s31 =	sshll.u32 s3, $0x6;
	s7 =	sshll.u32 s6, $0xF;
	_ =	strace $0x8000004A  }
0x9: {  	s26 =	smul.u32 $0x28000, s6;
	s6 =	ssub.s32 $0x2, s6;
	s7 =	sor.u32 s8, s7  }
0xa: {  	s11 =	sadd.s32 s9, s5;
	s29 =	sshrl.u32 s6, $0x1;
	s30 =	sshrl.u32 s28, $0x2  }
0xb: {  	s10 =	sadd.s32 s7, s5;
	s8 =	sadd.s32 s9, s26;
	s13 =	ssub.s32 s6, s29  }
0xc: {  	s14 =	sadd.s32 s30, s2;
	s6 =	sor.u32 $0x1C02, s31;
	s12 =	sadd.s32 s8, s5  }
0xd: {  	s5 =	sadd.s32 $0x15C00, s11;
	s7 =	sadd.s32 $0x8DC00, s10;
	s8 =	sadd.s32 $0x5C00, s10  }
0xe: {  	s10 =	smax.u32 s13, $0x1;
	s11 =	sshrl.u32 s14, $0x3;
	s13 =	simm.s32 $0x4000  }
0xf: {  	s14 =	simm.s32 $0x50;
	s9 =	sadd.s32 $0xC4E00, s12;
	s12 =	simm.s32 $0x2  }
.LBB2_1:
0x10: {  	[spmem:s11], [sflag:s6] =	dma.local [hbm:s5], $0x2800  }
0x11: {  	_ =	swait.ge [sflag:s12], $0x2800  }
0x12: {  	[sflag:s12] =	ssyncset.done $0x0  }
0x13: {  	[sflag:s12] =	ssyncadd.s32 $0xFFFFD800  }
0x14: {  	[tilespmem:s4], [sflag:$0x2] =	stream.linear.gather [hbm4b:s7+s4], $0x3E80, $0x38;
	[tilespmem:$0x1E800] =	vst v63  }
0x15: {  	_ =	swait.ge [sflag:s12], $0x3E80  }
0x16: {  	[sflag:s12] =	ssyncset.done $0x0  }
0x17: {  	[sflag:s12] =	ssyncadd.s32 $0xFFFFC180  }
0x18: {  	[tilespmem:s13], [sflag:$0x2] =	stream.linear.gather [hbm4b:s8+s4], $0x3E80, $0x38;
	[tilespmem:$0x1E800] =	vst v63  }
0x19: {  	_ =	swait.ge [sflag:s12], $0x3E80  }
0x1a: {  	[sflag:s12] =	ssyncset.done $0x0  }
0x1b: {  	[sflag:s12] =	ssyncadd.s32 $0xFFFFC180  }
0x1c: {  	s18 =	simm.s32 $0x0;
	[bflag:$0x0] =	sbarrier.arrive $0xFFFF  }
0x1d: {  	[tilespmem:s15], [sflag:$0x1] =	stream.indirect.gather [hbm4b:s1+s14], $0x80, s18, s14, $0xb8;
	[tilespmem:$0x1E800] =	vst v63  }
0x1e: {  	_ =	swait.ge [sflag:s16], $0x2800  }
0x1f: {  	[sflag:s16] =	ssyncset.done $0x0  }
0x20: {  	s31 =	simm.s32 $0x4000;
	[sflag:s16] =	ssyncadd.s32 $0xFFFFD800  }
0x21: {  	[spmem:s2] =	stream.indirect.scatter.add.f32 [tilespmem:s15], [sflag:$0x2], $0x80, s31, s14, $0xb8;
	[tilespmem:$0x1E800] =	vst v63  }
0x22: {  	_ =	swait.ge [sflag:s12], $0x2800  }
0x23: {  	s19 =	simm.s32 $0x400;
	s18 =	simm.s32 $0x200;
	[sflag:s12] =	ssyncset.done $0x0  }
.LBB2_2:
0x24: {  	s20 =	sshra.s32 s18, $0x2  }
0x25: {  	[sflag:s12] =	ssyncadd.s32 $0xFFFFD800;
	s18 =	smov.u32 s19;
	s21 =	sadd.s32 $0x200, s19  }
0x26: {  	[tilespmem:s15], [sflag:$0x1] =	stream.indirect.gather [hbm4b:s1+s14], $0x80, s20, s14, $0xb8;
	[tilespmem:$0x1E800] =	vst v63  }
0x27: {  	p0 =	sne.s32 s19, $0xF800;
	_ =	swait.ge [sflag:s16], $0x2800  }
.Ltmp0:
0x28: {  	[sflag:s16] =	ssyncset.done $0x0;
	(pc) =	sbr.rel @p0 .LBB2_2-.Ltmp0, $4  }
0x29: {  	s19 =	sadd.s32 $0x4000, s20;
	[sflag:s16] =	ssyncadd.s32 $0xFFFFD800  }
0x2a: {  	[spmem:s2] =	stream.indirect.scatter.add.f32 [tilespmem:s15], [sflag:$0x2], $0x80, s19, s14, $0xb8;
	[tilespmem:$0x1E800] =	vst v63  }
0x2b: {  	_ =	swait.ge [sflag:s12], $0x2800  }
0x2c: {  	s19 =	smov.u32 s21;
	[sflag:s12] =	ssyncset.done $0x0  }
0x2d: {  	s18 =	sshra.s32 s18, $0x2;
	[sflag:s12] =	ssyncadd.s32 $0xFFFFD800  }
0x2e: {  	[tilespmem:s15], [sflag:$0x1] =	stream.indirect.gather [hbm4b:s1+s14], $0x80, s18, s14, $0xb8;
	[tilespmem:$0x1E800] =	vst v63  }
0x2f: {  	_ =	swait.ge [sflag:s16], $0x2800  }
0x30: {  	[sflag:s16] =	ssyncset.done $0x0  }
0x31: {  	s18 =	sadd.s32 $0x4000, s18;
	[sflag:s16] =	ssyncadd.s32 $0xFFFFD800  }
0x32: {  	[spmem:s2] =	stream.indirect.scatter.add.f32 [tilespmem:s15], [sflag:$0x2], $0x80, s18, s14, $0xb8;
	[tilespmem:$0x1E800] =	vst v63  }
0x33: {  	_ =	swait.ge [sflag:s12], $0x2800  }
0x34: {  	s17 =	sadd.s32 $0x1, s17;
	[sflag:s12] =	ssyncset.done $0x0  }
0x35: {  	p0 =	sne.s32 s17, s10;
	[sflag:s12] =	ssyncadd.s32 $0xFFFFD800  }
.Ltmp1:
0x36: {  	[bflag:$0x0] =	sbarrier.arrive $0xFFFF;
	(pc) =	sbr.rel @p0 .LBB2_1-.Ltmp1, $4  }
0x37: {  	[hbm:s9], [sflag:s6] =	dma.local [spmem:s11], $0x2800  }
0x38: {  	_ =	swait.ge [sflag:s12], $0x2800  }
0x39: {  	[sflag:s12] =	ssyncset.done $0x0  }
0x3a: {  	[sflag:s12] =	ssyncadd.s32 $0xFFFFD800  }
0x3b: {  	_ =	sfence.sel $0x180000  }
0x3c: {  	[bflag:$0x0] =	sbarrier.arrive $0xFFFF  }
0x3d: {  	p0 =	sne.s32 s3, $0x0;
	_ =	strace $0x9000004A  }
0x3e: {  	s0 =	sadd.s32 @!p0 $0x100000, s0;
	[bflag:$0x2] =	sbarrier.arrive $0xFFFF  }
0x3f: {  	[sflag:s0] =	ssyncadd.tile.s32 @!p0 $0x1;
	_ =	shalt  }
.Lfunc_end2:
_tile_overlayer_lowered:
.L_overlay_start_2:
0x40: {  	(tag) =	ssettag $0x2  }
0x41: {  	s0 =	rddreg [dreg:$0x0];
	s2 =	stileid.u32  }
0x42: {  	s1 =	rddreg [dreg:$0x1];
	p0 =	sne.s32 s2, $0x0  }
0x43: {  	s3 =	rddreg [dreg:$0x2];
	[bflag:$0x3] =	sbarrier.arrive $0xFFFF;
	s2 =	simm.s32 @!p0 $0x1C02  }
0x44: {  	[timem:s3], [sflag:s2] =	dma.local @!p0 [hbm:s0], s1  }
0x45: {  	s0 =	simm.s32 @!p0 $0x2  }
0x46: {  	_ =	swait.ge @!p0 [sflag:s0], s1  }
0x47: {  	s1 =	ssub.s32 @!p0 $0x0, s1;
	[sflag:s0] =	ssyncset.done @!p0 $0x0  }
0x48: {  	[sflag:s0] =	ssyncadd.s32 @!p0 s1  }
0x49: {  	[bflag:$0x3] =	sbarrier.arrive $0xFFFF  }
0x4a: {  	_ =	shalt  }

// kernel: kernel.19.cloned.1.call-start
scs
__scs_entry_jumppad:
0x0: {  	(pc) =	sbr.rel $0x88, $3  }
0x1: {  	(tag) =	ssettag $0x0;
	lr =	simm.s32 $0x1  }
0x2: {  	[smem:$0x3F91] =	sst lr;
	_ =	strace $0xD0000000  }
0x3: {  	_ = 	snop  }
0x4: {  	_ = 	snop  }
0x5: {  	_ = 	snop  }
0x6: {  	_ = 	snop  }
0x7: {  	_ = 	snop  }
__scs_overlays_trampoline_lowered:
0x8: {  	[smem:$0x3FA0] =	sst s0  }
0x9: {  	[smem:$0x3FA1] =	sst s1  }
0xa: {  	[smem:$0x3FA2] =	sst s2  }
0xb: {  	[smem:$0x3FA3] =	sst s3  }
0xc: {  	[smem:$0x3FA4] =	sst s4  }
0xd: {  	[smem:$0x3FA5] =	sst s5  }
0xe: {  	[smem:$0x3FA6] =	sst s6  }
0xf: {  	[smem:$0x3FA7] =	sst s7  }
0x10: {  	[smem:$0x3FA8] =	sst s8  }
0x11: {  	[smem:$0x3FA9] =	sst s9;
	s0 =	simm.s32 @!p0 $0x0  }
0x12: {  	s1 =	sld [smem:$0x3F8F];
	s0 =	simm.s32 @p0 $0x1  }
0x13: {  	[smem:$0x3FAA] =	sst s0;
	s0 =	simm.s32 @!p1 $0x0  }
0x14: {  	s2 =	sld [smem:$0x3F8E];
	s0 =	simm.s32 @p1 $0x1  }
0x15: {  	[smem:$0x3FAB] =	sst s0;
	s0 =	simm.s32 @!p2 $0x0  }
0x16: {  	s3 =	sld [smem:$0x3FDB];
	s0 =	simm.s32 @p2 $0x1  }
0x17: {  	s4 =	simm.s32 $0x1BF5;
	[smem:$0x3FAD] =	sst s0  }
0x18: {  	s0 =	sld [smem:$0x3F90];
	_ =	swait.ge [sflag:s4], $0x0  }
0x19: {  	s7 =	sld [smem:$0x3F91]  }
0x1a: {  	s8 =	sadd.s32 $0xFFFFE003, lr  }
0x1b: {  	s9 =	sadd.s32 $0xFFFFFEF7, lr;
	s5 =	simm.s32 $0xFFFFFFFF;
	p2 =	slt.u32 s8, $0xFFFFF086  }
0x1c: {  	p1 =	slt.u32 s9, $0xF7A;
	s5 =	simm.s32 @!p2 $0x0  }
0x1d: {  	s5 =	simm.s32 @p1 $0x1;
	p0 =	seq.s32 s7, s2  }
0x1e: {  	s7 =	smul.u32 @!p0 $0xF7A, s2;
	p2 =	seq.s32 @!p0 s5, $0x0  }
0x1f: {  	s9 =	smul.u32 $0xF7A, s1;
	s8 =	simm.s32 @!p0 $0x1BF5;
	p2 =	por !p2, p0  }
0x20: {  	[sflag:s8] =	ssyncset.s32 @!p0 $0xFFFFF086;
	s6 =	sadd.s32 @!p0 s3, s7;
	s7 =	simm.s32 @!p0 $0x108  }
0x21: {  	s3 =	sadd.s32 s3, s9;
	s6 =	sadd.s32 @!p0 $0x88, s6;
	s7 =	simm.s32 @p2 $0x1082  }
0x22: {  	[simem:s7], [sflag:s8] =	dma.local @!p0 [hbm:s6], $0xF7A  }
0x23: {  	s9 =	sor.u32 $0xD0000000, s2;
	s6 =	simm.s32 $0x108;
	_ =	swait.ge @!p0 [sflag:s8], $0x0  }
0x24: {  	s3 =	sadd.s32 $0x88, s3;
	s6 =	simm.s32 @!p1 $0x1082;
	[sflag:s4] =	ssyncset.s32 $0xFFFFF086  }
0x25: {  	[simem:s6], [sflag:s4] =	dma.local [hbm:s3], $0xF7A  }
0x26: {  	[smem:$0x3F91] =	sst s1;
	(tag) =	ssettag s2;
	_ =	strace s9  }
0x27: {  	s1 =	sld [smem:$0x3FA1]  }
0x28: {  	s2 =	sld [smem:$0x3FA2]  }
0x29: {  	s4 =	sld [smem:$0x3FA4]  }
0x2a: {  	p0 =	seq.s32 s5, $0x0;
	s5 =	sld [smem:$0x3FA5]  }
0x2b: {  	s6 =	sld [smem:$0x3FA6]  }
0x2c: {  	s7 =	sld [smem:$0x3FA7]  }
0x2d: {  	s3 =	simm.s32 $0x108;
	s8 =	sld [smem:$0x3FA8]  }
0x2e: {  	s3 =	simm.s32 @!p0 $0x1082;
	s9 =	sld [smem:$0x3FA9]  }
0x2f: {  	lr =	sadd.s32 s0, s3;
	s0 =	sld [smem:$0x3FA0]  }
0x30: {  	s3 =	sld [smem:$0x3FA3]  }
0x31: {  	[smem:$0x3FAC] =	sst s10  }
0x32: {  	s10 =	sld [smem:$0x3FAA];
	_ =	sdelay $0x3  }
0x33: {  	p0 =	seq.s32 s10, $0x1;
	s10 =	sld [smem:$0x3FAC];
	_ =	sdelay $0x3  }
0x34: {  	[smem:$0x3FAC] =	sst s10  }
0x35: {  	s10 =	sld [smem:$0x3FAB];
	_ =	sdelay $0x3  }
0x36: {  	p1 =	seq.s32 s10, $0x1;
	s10 =	sld [smem:$0x3FAC];
	_ =	sdelay $0x3  }
0x37: {  	[smem:$0x3FAC] =	sst s10  }
0x38: {  	s10 =	sld [smem:$0x3FAD]  }
0x39: {  	_ = 	snop;
	(pc) =	sbr.ind lr, $3  }
0x3a: {  	_ = 	snop  }
0x3b: {  	_ = 	snop  }
0x3c: {  	p2 =	seq.s32 s10, $0x1;
	s10 =	sld [smem:$0x3FAC]  }
0x3d: {  	_ =	shalt  }
0x3e: {  	_ =	shalt  }
0x3f: {  	_ =	shalt  }
0x40: {  	_ =	shalt  }
0x41: {  	_ =	shalt  }
0x42: {  	_ =	shalt  }
0x43: {  	_ =	shalt  }
0x44: {  	_ =	shalt  }
0x45: {  	_ =	shalt  }
0x46: {  	_ =	shalt  }
0x47: {  	_ =	shalt  }
0x48: {  	_ =	shalt  }
0x49: {  	_ =	shalt  }
0x4a: {  	_ =	shalt  }
0x4b: {  	_ =	shalt  }
0x4c: {  	_ =	shalt  }
0x4d: {  	_ =	shalt  }
0x4e: {  	_ =	shalt  }
0x4f: {  	_ =	shalt  }
0x50: {  	_ =	shalt  }
0x51: {  	_ =	shalt  }
0x52: {  	_ =	shalt  }
0x53: {  	_ =	shalt  }
0x54: {  	_ =	shalt  }
0x55: {  	_ =	shalt  }
0x56: {  	_ =	shalt  }
0x57: {  	_ =	shalt  }
0x58: {  	_ =	shalt  }
0x59: {  	_ =	shalt  }
0x5a: {  	_ =	shalt  }
0x5b: {  	_ =	shalt  }
0x5c: {  	_ =	shalt  }
0x5d: {  	_ =	shalt  }
0x5e: {  	_ =	shalt  }
0x5f: {  	_ =	shalt  }
0x60: {  	_ =	shalt  }
0x61: {  	_ =	shalt  }
0x62: {  	_ =	shalt  }
0x63: {  	_ =	shalt  }
0x64: {  	_ =	shalt  }
0x65: {  	_ =	shalt  }
0x66: {  	_ =	shalt  }
0x67: {  	_ =	shalt  }
0x68: {  	_ =	shalt  }
0x69: {  	_ =	shalt  }
0x6a: {  	_ =	shalt  }
0x6b: {  	_ =	shalt  }
0x6c: {  	_ =	shalt  }
0x6d: {  	_ =	shalt  }
0x6e: {  	_ =	shalt  }
0x6f: {  	_ =	shalt  }
0x70: {  	_ =	shalt  }
0x71: {  	_ =	shalt  }
0x72: {  	_ =	shalt  }
0x73: {  	_ =	shalt  }
0x74: {  	_ =	shalt  }
0x75: {  	_ =	shalt  }
0x76: {  	_ =	shalt  }
0x77: {  	_ =	shalt  }
0x78: {  	_ =	shalt  }
0x79: {  	_ =	shalt  }
0x7a: {  	_ =	shalt  }
0x7b: {  	_ =	shalt  }
0x7c: {  	_ =	shalt  }
0x7d: {  	_ =	shalt  }
0x7e: {  	_ =	shalt  }
0x7f: {  	_ =	shalt  }
0x80: {  	_ =	shalt  }
0x81: {  	_ =	shalt  }
0x82: {  	_ =	shalt  }
0x83: {  	_ =	shalt  }
0x84: {  	_ =	shalt  }
0x85: {  	_ =	shalt  }
0x86: {  	_ =	shalt  }
0x87: {  	_ =	shalt  }
.Lfunc_end0:
.L_simem_size_0:
called_computation.2_lowered:
.L_overlay_start_0:
0x88: {  	s2 =	sld [smem:$0x3FD9]  }
0x89: {  	s3 =	sld [smem:$0x3FFE];
	_ =	sdelay $0x1  }
0x8a: {  	s1 =	srdreg.scid  }
0x8b: {  	s0 =	sand.u32 $0x1, s1  }
0x8c: {  	s17 =	sshll.u32 s0, $0xA;
	s2 =	sadd.s32 s3, s2  }
0x8d: {  	s2 =	sadd.s32 s2, s17  }
0x8e: {  	[smem:$0x3FB8] =	sst s2  }
0x8f: {  	_ = 	snop  }
0x90: {  	s2 =	sld [smem:$0x3FD0];
	(tm) =	ssettm $0x1  }
0x91: {  	s18 =	sld [smem:$0x3FFB];
	_ =	sdelay $0x3  }
0x92: {  	_ =	strace s18  }
0x93: {  	s3 =	sld [smem:$0x3FFC];
	_ =	sdelay $0x3  }
0x94: {  	_ =	strace s3  }
0x95: {  	s3 =	sld [smem:$0x3FFD];
	_ =	sdelay $0x3  }
0x96: {  	_ =	strace s3  }
0x97: {  	_ =	strace $0x8FFFFFFF  }
0x98: {  	s19 =	sld [smem:$0x3FDB];
	_ =	sdelay $0x1  }
0x99: {  	s4 =	simm.s32 $_scs_section_size  }
0x9a: {  	s5 =	simm.s32 $_size__tile_overlayer_lowered;
	s6 =	simm.s32 $_tile_overlayer_lowered  }
0x9b: {  	s22 =	simm.s32 $0x1BFF;
	s21 =	sshll.u32 s6, $0x1;
	s3 =	sadd.s32 s4, s19  }
0x9c: {  	s7 =	simm.s32 $0x0;
	s20 =	sshll.u32 s5, $0x1;
	s5 =	sadd.s32 s21, s3  }
0x9d: {  	[timem:s7], [sflag:s22] =	dma.local [hbm:s5], s20  }
0x9e: {  	_ =	swait.ge [sflag:s22], s20  }
0x9f: {  	s4 =	ssub.s32 $0x0, s20;
	[sflag:s22] =	ssyncset.done $0x0  }
0xa0: {  	[sflag:s22] =	ssyncadd.s32 s4;
	_ =	sdelay $0x1  }
0xa1: {  	s23 =	simm.s32 $0x1B8B  }
0xa2: {  	_ =	swait.ge [sflag:s23], $0x1  }
0xa3: {  	[sflag:s23] =	ssyncset.done $0x0  }
0xa4: {  	s25 =	simm.s32 $0x1B8E;
	s24 =	sld [smem:$0x3FFE];
	[sflag:s23] =	ssyncadd.s32 $0xFFFFFFFF  }
0xa5: {  	s26 =	simm.s32 $execute0_lowered;
	[smem:$0x3FD2] =	sst s25  }
0xa6: {  	s5 =	sshll.u32 s26, $0x1;
	_ =	strace $0x8000004C;
	[dreg:$0x1] =	wrdreg $0xFFFFFFFF  }
0xa7: {  	s28 =	simm.s32 $_size_execute0_lowered;
	s3 =	sadd.s32 s3, s5;
	[dreg:$0x0] =	wrdreg $0x0  }
0xa8: {  	s5 =	sshll.u32 s28, $0x1;
	[dreg:$0x2] =	wrdreg s3  }
0xa9: {  	[dreg:$0x3] =	wrdreg s5  }
0xaa: {  	[dreg:$0x4] =	wrdreg $0xC0  }
0xab: {  	_ =	task [dreg:s7], $0x5FFFF  }
0xac: {  	[dreg:$0x1] =	wrdreg $0xFFFFFFFF  }
0xad: {  	[dreg:$0x0] =	wrdreg $0x60  }
0xae: {  	[dreg:$0x2] =	wrdreg s2  }
0xaf: {  	[dreg:$0x3] =	wrdreg s24  }
0xb0: {  	[dreg:$0x4] =	wrdreg $0xA8000  }
0xb1: {  	[dreg:$0x5] =	wrdreg $0x9  }
0xb2: {  	_ =	task.clear_ibuf [dreg:s7], $0x6FFFF;
	_ =	strace $0x9000004C  }
0xb3: {  	s29 =	simm.s32 $0x9;
	_ =	strace $0x8000004E  }
0xb4: {  	_ =	swait.ge [sflag:s29], $0x1  }
0xb5: {  	[sflag:s29] =	ssyncadd.s32 $0xFFFFFFFF  }
0xb6: {  	_ =	strace $0x9000004E  }
0xb7: {  	_ =	sfence  }
0xb8: {  	s30 =	sld [smem:$0x0];
	_ =	sdelay $0x2  }
0xb9: {  	s31 =	sshll.u32 s1, $0xD;
	s1 =	sshrl.u32 s1, $0x2  }
0xba: {  	s3 =	sand.u32 $0x4000, s31;
	s1 =	sadd.s32 s1, s30  }
0xbb: {  	s0 =	sor.u32 s3, s0;
	s1 =	sshll.u32 s1, $0x11  }
0xbc: {  	s0 =	sor.u32 s1, s0  }
0xbd: {  	s0 =	sadd.s32 $0x8F2B, s0  }
0xbe: {  	[sflag:s0] =	ssyncadd.remote.s32 $0x1  }
0xbf: {  	_ =	sfence.sel $0xFFFF  }
0xc0: {  	[dreg:$0x0] =	wrdreg $0xFFFFFFFF;
	(pc) =	sbr.abs _section_cstart, $3  }
0xc1: {  	[dreg:$0x1] =	wrdreg $0xFFFFFFFF  }
0xc2: {  	_ =	task.clear_ibuf [dreg:s7], $0x2FFFF;
	_ =	strace $0x9FFFFFFF  }
0xc3: {  	(tm) =	ssettm $0x7FFFFFFF  }
tec
execute0_lowered:
.L_overlay_start_1:
0x0: {  	(tag) =	ssettag $0x1  }
0x1: {  	s1 =	rddreg [dreg:$0x0]  }
0x2: {  	s5 =	rddreg [dreg:$0x1]  }
0x3: {  	s2 =	rddreg [dreg:$0x2]  }
0x4: {  	s0 =	rddreg [dreg:$0x3];
	s4 =	simm.s32 $0x0;
	s6 =	srdreg.scid  }
0x5: {  	s3 =	stileid.u32;
	s15 =	simm.s32 $0x8000;
	s16 =	simm.s32 $0x1  }
0x6: {  	s17 =	simm.s32 $0x0;
	[smem:$0x7FF] =	sst s4;
	s9 =	smul.u32 $0x2800, s3  }
0x7: {  	s6 =	sand.u32 $0x1, s6;
	s8 =	sshll.u32 s3, $0xB;
	s28 =	smul.u32 $0x50000, s3  }
0x8: {  	s31 =	sshll.u32 s3, $0x6;
	s7 =	sshll.u32 s6, $0xF;
	_ =	strace $0x8000004D  }
0x9: {  	s26 =	smul.u32 $0x28000, s6;
	s6 =	ssub.s32 $0x2, s6;
	s7 =	sor.u32 s8, s7  }
0xa: {  	s11 =	sadd.s32 s9, s5;
	s29 =	sshrl.u32 s6, $0x1;
	s30 =	sshrl.u32 s28, $0x2  }
0xb: {  	s10 =	sadd.s32 s7, s5;
	s8 =	sadd.s32 s9, s26;
	s13 =	ssub.s32 s6, s29  }
0xc: {  	s14 =	sadd.s32 s30, s2;
	s6 =	sor.u32 $0x1C02, s31;
	s12 =	sadd.s32 s8, s5  }
0xd: {  	s5 =	sadd.s32 $0x15C00, s11;
	s7 =	sadd.s32 $0x8DC00, s10;
	s8 =	sadd.s32 $0x5C00, s10  }
0xe: {  	s10 =	smax.u32 s13, $0x1;
	s11 =	sshrl.u32 s14, $0x3;
	s13 =	simm.s32 $0x4000  }
0xf: {  	s14 =	simm.s32 $0x50;
	s9 =	sadd.s32 $0x9DC00, s12;
	s12 =	simm.s32 $0x2  }
.LBB2_1:
0x10: {  	[spmem:s11], [sflag:s6] =	dma.local [hbm:s5], $0x2800  }
0x11: {  	_ =	swait.ge [sflag:s12], $0x2800  }
0x12: {  	[sflag:s12] =	ssyncset.done $0x0  }
0x13: {  	[sflag:s12] =	ssyncadd.s32 $0xFFFFD800  }
0x14: {  	[tilespmem:s4], [sflag:$0x2] =	stream.linear.gather [hbm4b:s7+s4], $0x3E80, $0x38;
	[tilespmem:$0x1E800] =	vst v63  }
0x15: {  	_ =	swait.ge [sflag:s12], $0x3E80  }
0x16: {  	[sflag:s12] =	ssyncset.done $0x0  }
0x17: {  	[sflag:s12] =	ssyncadd.s32 $0xFFFFC180  }
0x18: {  	[tilespmem:s13], [sflag:$0x2] =	stream.linear.gather [hbm4b:s8+s4], $0x3E80, $0x38;
	[tilespmem:$0x1E800] =	vst v63  }
0x19: {  	_ =	swait.ge [sflag:s12], $0x3E80  }
0x1a: {  	[sflag:s12] =	ssyncset.done $0x0  }
0x1b: {  	[sflag:s12] =	ssyncadd.s32 $0xFFFFC180  }
0x1c: {  	s18 =	simm.s32 $0x0;
	[bflag:$0x0] =	sbarrier.arrive $0xFFFF  }
0x1d: {  	[tilespmem:s15], [sflag:$0x1] =	stream.indirect.gather [hbm4b:s1+s14], $0x80, s18, s14, $0xb8;
	[tilespmem:$0x1E800] =	vst v63  }
0x1e: {  	_ =	swait.ge [sflag:s16], $0x2800  }
0x1f: {  	[sflag:s16] =	ssyncset.done $0x0  }
0x20: {  	s31 =	simm.s32 $0x4000;
	[sflag:s16] =	ssyncadd.s32 $0xFFFFD800  }
0x21: {  	[spmem:s2] =	stream.indirect.scatter.add.f32 [tilespmem:s15], [sflag:$0x2], $0x80, s31, s14, $0xb8;
	[tilespmem:$0x1E800] =	vst v63  }
0x22: {  	_ =	swait.ge [sflag:s12], $0x2800  }
0x23: {  	s19 =	simm.s32 $0x400;
	s18 =	simm.s32 $0x200;
	[sflag:s12] =	ssyncset.done $0x0  }
.LBB2_2:
0x24: {  	s20 =	sshra.s32 s18, $0x2  }
0x25: {  	[sflag:s12] =	ssyncadd.s32 $0xFFFFD800;
	s18 =	smov.u32 s19;
	s21 =	sadd.s32 $0x200, s19  }
0x26: {  	[tilespmem:s15], [sflag:$0x1] =	stream.indirect.gather [hbm4b:s1+s14], $0x80, s20, s14, $0xb8;
	[tilespmem:$0x1E800] =	vst v63  }
0x27: {  	p0 =	sne.s32 s19, $0xF800;
	_ =	swait.ge [sflag:s16], $0x2800  }
.Ltmp0:
0x28: {  	[sflag:s16] =	ssyncset.done $0x0;
	(pc) =	sbr.rel @p0 .LBB2_2-.Ltmp0, $4  }
0x29: {  	s19 =	sadd.s32 $0x4000, s20;
	[sflag:s16] =	ssyncadd.s32 $0xFFFFD800  }
0x2a: {  	[spmem:s2] =	stream.indirect.scatter.add.f32 [tilespmem:s15], [sflag:$0x2], $0x80, s19, s14, $0xb8;
	[tilespmem:$0x1E800] =	vst v63  }
0x2b: {  	_ =	swait.ge [sflag:s12], $0x2800  }
0x2c: {  	s19 =	smov.u32 s21;
	[sflag:s12] =	ssyncset.done $0x0  }
0x2d: {  	s18 =	sshra.s32 s18, $0x2;
	[sflag:s12] =	ssyncadd.s32 $0xFFFFD800  }
0x2e: {  	[tilespmem:s15], [sflag:$0x1] =	stream.indirect.gather [hbm4b:s1+s14], $0x80, s18, s14, $0xb8;
	[tilespmem:$0x1E800] =	vst v63  }
0x2f: {  	_ =	swait.ge [sflag:s16], $0x2800  }
0x30: {  	[sflag:s16] =	ssyncset.done $0x0  }
0x31: {  	s18 =	sadd.s32 $0x4000, s18;
	[sflag:s16] =	ssyncadd.s32 $0xFFFFD800  }
0x32: {  	[spmem:s2] =	stream.indirect.scatter.add.f32 [tilespmem:s15], [sflag:$0x2], $0x80, s18, s14, $0xb8;
	[tilespmem:$0x1E800] =	vst v63  }
0x33: {  	_ =	swait.ge [sflag:s12], $0x2800  }
0x34: {  	s17 =	sadd.s32 $0x1, s17;
	[sflag:s12] =	ssyncset.done $0x0  }
0x35: {  	p0 =	sne.s32 s17, s10;
	[sflag:s12] =	ssyncadd.s32 $0xFFFFD800  }
.Ltmp1:
0x36: {  	[bflag:$0x0] =	sbarrier.arrive $0xFFFF;
	(pc) =	sbr.rel @p0 .LBB2_1-.Ltmp1, $4  }
0x37: {  	[hbm:s9], [sflag:s6] =	dma.local [spmem:s11], $0x2800  }
0x38: {  	_ =	swait.ge [sflag:s12], $0x2800  }
0x39: {  	[sflag:s12] =	ssyncset.done $0x0  }
0x3a: {  	[sflag:s12] =	ssyncadd.s32 $0xFFFFD800  }
0x3b: {  	_ =	sfence.sel $0x180000  }
0x3c: {  	[bflag:$0x0] =	sbarrier.arrive $0xFFFF  }
0x3d: {  	p0 =	sne.s32 s3, $0x0;
	_ =	strace $0x9000004D  }
0x3e: {  	s0 =	sadd.s32 @!p0 $0x100000, s0;
	[bflag:$0x2] =	sbarrier.arrive $0xFFFF  }
0x3f: {  	[sflag:s0] =	ssyncadd.tile.s32 @!p0 $0x1;
	_ =	shalt  }
.Lfunc_end2:
_tile_overlayer_lowered:
.L_overlay_start_2:
0x40: {  	(tag) =	ssettag $0x2  }
0x41: {  	s0 =	rddreg [dreg:$0x0];
	s2 =	stileid.u32  }
0x42: {  	s1 =	rddreg [dreg:$0x1];
	p0 =	sne.s32 s2, $0x0  }
0x43: {  	s3 =	rddreg [dreg:$0x2];
	[bflag:$0x3] =	sbarrier.arrive $0xFFFF;
	s2 =	simm.s32 @!p0 $0x1C02  }
0x44: {  	[timem:s3], [sflag:s2] =	dma.local @!p0 [hbm:s0], s1  }
0x45: {  	s0 =	simm.s32 @!p0 $0x2  }
0x46: {  	_ =	swait.ge @!p0 [sflag:s0], s1  }
0x47: {  	s1 =	ssub.s32 @!p0 $0x0, s1;
	[sflag:s0] =	ssyncset.done @!p0 $0x0  }
0x48: {  	[sflag:s0] =	ssyncadd.s32 @!p0 s1  }
0x49: {  	[bflag:$0x3] =	sbarrier.arrive $0xFFFF  }
0x4a: {  	_ =	shalt  }

// kernel: kernel.22.cloned.1.call-start
scs
__scs_entry_jumppad:
0x0: {  	(pc) =	sbr.rel $0x88, $3  }
0x1: {  	(tag) =	ssettag $0x0;
	lr =	simm.s32 $0x1  }
0x2: {  	[smem:$0x3F91] =	sst lr;
	_ =	strace $0xD0000000  }
0x3: {  	_ = 	snop  }
0x4: {  	_ = 	snop  }
0x5: {  	_ = 	snop  }
0x6: {  	_ = 	snop  }
0x7: {  	_ = 	snop  }
__scs_overlays_trampoline_lowered:
0x8: {  	[smem:$0x3FA0] =	sst s0  }
0x9: {  	[smem:$0x3FA1] =	sst s1  }
0xa: {  	[smem:$0x3FA2] =	sst s2  }
0xb: {  	[smem:$0x3FA3] =	sst s3  }
0xc: {  	[smem:$0x3FA4] =	sst s4  }
0xd: {  	[smem:$0x3FA5] =	sst s5  }
0xe: {  	[smem:$0x3FA6] =	sst s6  }
0xf: {  	[smem:$0x3FA7] =	sst s7  }
0x10: {  	[smem:$0x3FA8] =	sst s8  }
0x11: {  	[smem:$0x3FA9] =	sst s9;
	s0 =	simm.s32 @!p0 $0x0  }
0x12: {  	s1 =	sld [smem:$0x3F8F];
	s0 =	simm.s32 @p0 $0x1  }
0x13: {  	[smem:$0x3FAA] =	sst s0;
	s0 =	simm.s32 @!p1 $0x0  }
0x14: {  	s2 =	sld [smem:$0x3F8E];
	s0 =	simm.s32 @p1 $0x1  }
0x15: {  	[smem:$0x3FAB] =	sst s0;
	s0 =	simm.s32 @!p2 $0x0  }
0x16: {  	s3 =	sld [smem:$0x3FDB];
	s0 =	simm.s32 @p2 $0x1  }
0x17: {  	s4 =	simm.s32 $0x1BF5;
	[smem:$0x3FAD] =	sst s0  }
0x18: {  	s0 =	sld [smem:$0x3F90];
	_ =	swait.ge [sflag:s4], $0x0  }
0x19: {  	s7 =	sld [smem:$0x3F91]  }
0x1a: {  	s8 =	sadd.s32 $0xFFFFE003, lr  }
0x1b: {  	s9 =	sadd.s32 $0xFFFFFEF7, lr;
	s5 =	simm.s32 $0xFFFFFFFF;
	p2 =	slt.u32 s8, $0xFFFFF086  }
0x1c: {  	p1 =	slt.u32 s9, $0xF7A;
	s5 =	simm.s32 @!p2 $0x0  }
0x1d: {  	s5 =	simm.s32 @p1 $0x1;
	p0 =	seq.s32 s7, s2  }
0x1e: {  	s7 =	smul.u32 @!p0 $0xF7A, s2;
	p2 =	seq.s32 @!p0 s5, $0x0  }
0x1f: {  	s9 =	smul.u32 $0xF7A, s1;
	s8 =	simm.s32 @!p0 $0x1BF5;
	p2 =	por !p2, p0  }
0x20: {  	[sflag:s8] =	ssyncset.s32 @!p0 $0xFFFFF086;
	s6 =	sadd.s32 @!p0 s3, s7;
	s7 =	simm.s32 @!p0 $0x108  }
0x21: {  	s3 =	sadd.s32 s3, s9;
	s6 =	sadd.s32 @!p0 $0x88, s6;
	s7 =	simm.s32 @p2 $0x1082  }
0x22: {  	[simem:s7], [sflag:s8] =	dma.local @!p0 [hbm:s6], $0xF7A  }
0x23: {  	s9 =	sor.u32 $0xD0000000, s2;
	s6 =	simm.s32 $0x108;
	_ =	swait.ge @!p0 [sflag:s8], $0x0  }
0x24: {  	s3 =	sadd.s32 $0x88, s3;
	s6 =	simm.s32 @!p1 $0x1082;
	[sflag:s4] =	ssyncset.s32 $0xFFFFF086  }
0x25: {  	[simem:s6], [sflag:s4] =	dma.local [hbm:s3], $0xF7A  }
0x26: {  	[smem:$0x3F91] =	sst s1;
	(tag) =	ssettag s2;
	_ =	strace s9  }
0x27: {  	s1 =	sld [smem:$0x3FA1]  }
0x28: {  	s2 =	sld [smem:$0x3FA2]  }
0x29: {  	s4 =	sld [smem:$0x3FA4]  }
0x2a: {  	p0 =	seq.s32 s5, $0x0;
	s5 =	sld [smem:$0x3FA5]  }
0x2b: {  	s6 =	sld [smem:$0x3FA6]  }
0x2c: {  	s7 =	sld [smem:$0x3FA7]  }
0x2d: {  	s3 =	simm.s32 $0x108;
	s8 =	sld [smem:$0x3FA8]  }
0x2e: {  	s3 =	simm.s32 @!p0 $0x1082;
	s9 =	sld [smem:$0x3FA9]  }
0x2f: {  	lr =	sadd.s32 s0, s3;
	s0 =	sld [smem:$0x3FA0]  }
0x30: {  	s3 =	sld [smem:$0x3FA3]  }
0x31: {  	[smem:$0x3FAC] =	sst s10  }
0x32: {  	s10 =	sld [smem:$0x3FAA];
	_ =	sdelay $0x3  }
0x33: {  	p0 =	seq.s32 s10, $0x1;
	s10 =	sld [smem:$0x3FAC];
	_ =	sdelay $0x3  }
0x34: {  	[smem:$0x3FAC] =	sst s10  }
0x35: {  	s10 =	sld [smem:$0x3FAB];
	_ =	sdelay $0x3  }
0x36: {  	p1 =	seq.s32 s10, $0x1;
	s10 =	sld [smem:$0x3FAC];
	_ =	sdelay $0x3  }
0x37: {  	[smem:$0x3FAC] =	sst s10  }
0x38: {  	s10 =	sld [smem:$0x3FAD]  }
0x39: {  	_ = 	snop;
	(pc) =	sbr.ind lr, $3  }
0x3a: {  	_ = 	snop  }
0x3b: {  	_ = 	snop  }
0x3c: {  	p2 =	seq.s32 s10, $0x1;
	s10 =	sld [smem:$0x3FAC]  }
0x3d: {  	_ =	shalt  }
0x3e: {  	_ =	shalt  }
0x3f: {  	_ =	shalt  }
0x40: {  	_ =	shalt  }
0x41: {  	_ =	shalt  }
0x42: {  	_ =	shalt  }
0x43: {  	_ =	shalt  }
0x44: {  	_ =	shalt  }
0x45: {  	_ =	shalt  }
0x46: {  	_ =	shalt  }
0x47: {  	_ =	shalt  }
0x48: {  	_ =	shalt  }
0x49: {  	_ =	shalt  }
0x4a: {  	_ =	shalt  }
0x4b: {  	_ =	shalt  }
0x4c: {  	_ =	shalt  }
0x4d: {  	_ =	shalt  }
0x4e: {  	_ =	shalt  }
0x4f: {  	_ =	shalt  }
0x50: {  	_ =	shalt  }
0x51: {  	_ =	shalt  }
0x52: {  	_ =	shalt  }
0x53: {  	_ =	shalt  }
0x54: {  	_ =	shalt  }
0x55: {  	_ =	shalt  }
0x56: {  	_ =	shalt  }
0x57: {  	_ =	shalt  }
0x58: {  	_ =	shalt  }
0x59: {  	_ =	shalt  }
0x5a: {  	_ =	shalt  }
0x5b: {  	_ =	shalt  }
0x5c: {  	_ =	shalt  }
0x5d: {  	_ =	shalt  }
0x5e: {  	_ =	shalt  }
0x5f: {  	_ =	shalt  }
0x60: {  	_ =	shalt  }
0x61: {  	_ =	shalt  }
0x62: {  	_ =	shalt  }
0x63: {  	_ =	shalt  }
0x64: {  	_ =	shalt  }
0x65: {  	_ =	shalt  }
0x66: {  	_ =	shalt  }
0x67: {  	_ =	shalt  }
0x68: {  	_ =	shalt  }
0x69: {  	_ =	shalt  }
0x6a: {  	_ =	shalt  }
0x6b: {  	_ =	shalt  }
0x6c: {  	_ =	shalt  }
0x6d: {  	_ =	shalt  }
0x6e: {  	_ =	shalt  }
0x6f: {  	_ =	shalt  }
0x70: {  	_ =	shalt  }
0x71: {  	_ =	shalt  }
0x72: {  	_ =	shalt  }
0x73: {  	_ =	shalt  }
0x74: {  	_ =	shalt  }
0x75: {  	_ =	shalt  }
0x76: {  	_ =	shalt  }
0x77: {  	_ =	shalt  }
0x78: {  	_ =	shalt  }
0x79: {  	_ =	shalt  }
0x7a: {  	_ =	shalt  }
0x7b: {  	_ =	shalt  }
0x7c: {  	_ =	shalt  }
0x7d: {  	_ =	shalt  }
0x7e: {  	_ =	shalt  }
0x7f: {  	_ =	shalt  }
0x80: {  	_ =	shalt  }
0x81: {  	_ =	shalt  }
0x82: {  	_ =	shalt  }
0x83: {  	_ =	shalt  }
0x84: {  	_ =	shalt  }
0x85: {  	_ =	shalt  }
0x86: {  	_ =	shalt  }
0x87: {  	_ =	shalt  }
.Lfunc_end0:
.L_simem_size_0:
called_computation.3_lowered:
.L_overlay_start_0:
0x88: {  	s2 =	sld [smem:$0x3FD9]  }
0x89: {  	s3 =	sld [smem:$0x3FFE];
	_ =	sdelay $0x1  }
0x8a: {  	s1 =	srdreg.scid  }
0x8b: {  	s0 =	sand.u32 $0x1, s1  }
0x8c: {  	s17 =	sshll.u32 s0, $0xA;
	s2 =	sadd.s32 s3, s2  }
0x8d: {  	s2 =	sadd.s32 s2, s17  }
0x8e: {  	[smem:$0x3FB8] =	sst s2  }
0x8f: {  	_ = 	snop  }
0x90: {  	s2 =	sld [smem:$0x3FD0];
	(tm) =	ssettm $0x1  }
0x91: {  	s18 =	sld [smem:$0x3FFB];
	_ =	sdelay $0x3  }
0x92: {  	_ =	strace s18  }
0x93: {  	s3 =	sld [smem:$0x3FFC];
	_ =	sdelay $0x3  }
0x94: {  	_ =	strace s3  }
0x95: {  	s3 =	sld [smem:$0x3FFD];
	_ =	sdelay $0x3  }
0x96: {  	_ =	strace s3  }
0x97: {  	_ =	strace $0x8FFFFFFF  }
0x98: {  	s19 =	sld [smem:$0x3FDB];
	_ =	sdelay $0x1  }
0x99: {  	s4 =	simm.s32 $_scs_section_size  }
0x9a: {  	s5 =	simm.s32 $_size__tile_overlayer_lowered;
	s6 =	simm.s32 $_tile_overlayer_lowered  }
0x9b: {  	s22 =	simm.s32 $0x1BFF;
	s21 =	sshll.u32 s6, $0x1;
	s3 =	sadd.s32 s4, s19  }
0x9c: {  	s7 =	simm.s32 $0x0;
	s20 =	sshll.u32 s5, $0x1;
	s5 =	sadd.s32 s21, s3  }
0x9d: {  	[timem:s7], [sflag:s22] =	dma.local [hbm:s5], s20  }
0x9e: {  	_ =	swait.ge [sflag:s22], s20  }
0x9f: {  	s4 =	ssub.s32 $0x0, s20;
	[sflag:s22] =	ssyncset.done $0x0  }
0xa0: {  	[sflag:s22] =	ssyncadd.s32 s4;
	_ =	sdelay $0x1  }
0xa1: {  	s23 =	simm.s32 $0x1B8B  }
0xa2: {  	_ =	swait.ge [sflag:s23], $0x1  }
0xa3: {  	[sflag:s23] =	ssyncset.done $0x0  }
0xa4: {  	s25 =	simm.s32 $0x1B8E;
	s24 =	sld [smem:$0x3FFE];
	[sflag:s23] =	ssyncadd.s32 $0xFFFFFFFF  }
0xa5: {  	s26 =	simm.s32 $execute0_lowered;
	[smem:$0x3FD2] =	sst s25  }
0xa6: {  	s5 =	sshll.u32 s26, $0x1;
	_ =	strace $0x8000004F;
	[dreg:$0x1] =	wrdreg $0xFFFFFFFF  }
0xa7: {  	s28 =	simm.s32 $_size_execute0_lowered;
	s3 =	sadd.s32 s3, s5;
	[dreg:$0x0] =	wrdreg $0x0  }
0xa8: {  	s5 =	sshll.u32 s28, $0x1;
	[dreg:$0x2] =	wrdreg s3  }
0xa9: {  	[dreg:$0x3] =	wrdreg s5  }
0xaa: {  	[dreg:$0x4] =	wrdreg $0xC0  }
0xab: {  	_ =	task [dreg:s7], $0x5FFFF  }
0xac: {  	[dreg:$0x1] =	wrdreg $0xFFFFFFFF  }
0xad: {  	[dreg:$0x0] =	wrdreg $0x60  }
0xae: {  	[dreg:$0x2] =	wrdreg s2  }
0xaf: {  	[dreg:$0x3] =	wrdreg s24  }
0xb0: {  	[dreg:$0x4] =	wrdreg $0xA8000  }
0xb1: {  	[dreg:$0x5] =	wrdreg $0x9  }
0xb2: {  	_ =	task.clear_ibuf [dreg:s7], $0x6FFFF;
	_ =	strace $0x9000004F  }
0xb3: {  	s29 =	simm.s32 $0x9;
	_ =	strace $0x80000051  }
0xb4: {  	_ =	swait.ge [sflag:s29], $0x1  }
0xb5: {  	[sflag:s29] =	ssyncadd.s32 $0xFFFFFFFF  }
0xb6: {  	_ =	strace $0x90000051  }
0xb7: {  	_ =	sfence  }
0xb8: {  	s30 =	sld [smem:$0x0];
	_ =	sdelay $0x2  }
0xb9: {  	s31 =	sshll.u32 s1, $0xD;
	s1 =	sshrl.u32 s1, $0x2  }
0xba: {  	s3 =	sand.u32 $0x4000, s31;
	s1 =	sadd.s32 s1, s30  }
0xbb: {  	s0 =	sor.u32 s3, s0;
	s1 =	sshll.u32 s1, $0x11  }
0xbc: {  	s0 =	sor.u32 s1, s0  }
0xbd: {  	s0 =	sadd.s32 $0x8F2B, s0  }
0xbe: {  	[sflag:s0] =	ssyncadd.remote.s32 $0x1  }
0xbf: {  	_ =	sfence.sel $0xFFFF  }
0xc0: {  	[dreg:$0x0] =	wrdreg $0xFFFFFFFF;
	(pc) =	sbr.abs _section_cstart, $3  }
0xc1: {  	[dreg:$0x1] =	wrdreg $0xFFFFFFFF  }
0xc2: {  	_ =	task.clear_ibuf [dreg:s7], $0x2FFFF;
	_ =	strace $0x9FFFFFFF  }
0xc3: {  	(tm) =	ssettm $0x7FFFFFFF  }
tec
execute0_lowered:
.L_overlay_start_1:
0x0: {  	(tag) =	ssettag $0x1  }
0x1: {  	s1 =	rddreg [dreg:$0x0]  }
0x2: {  	s5 =	rddreg [dreg:$0x1]  }
0x3: {  	s2 =	rddreg [dreg:$0x2]  }
0x4: {  	s0 =	rddreg [dreg:$0x3];
	s4 =	simm.s32 $0x0;
	s6 =	srdreg.scid  }
0x5: {  	s3 =	stileid.u32;
	s15 =	simm.s32 $0x8000;
	s16 =	simm.s32 $0x1  }
0x6: {  	s17 =	simm.s32 $0x0;
	[smem:$0x7FF] =	sst s4;
	s9 =	smul.u32 $0x2800, s3  }
0x7: {  	s6 =	sand.u32 $0x1, s6;
	s8 =	sshll.u32 s3, $0xB;
	s28 =	smul.u32 $0x50000, s3  }
0x8: {  	s31 =	sshll.u32 s3, $0x6;
	s7 =	sshll.u32 s6, $0xF;
	_ =	strace $0x80000050  }
0x9: {  	s26 =	smul.u32 $0x28000, s6;
	s6 =	ssub.s32 $0x2, s6;
	s7 =	sor.u32 s8, s7  }
0xa: {  	s11 =	sadd.s32 s9, s5;
	s29 =	sshrl.u32 s6, $0x1;
	s30 =	sshrl.u32 s28, $0x2  }
0xb: {  	s10 =	sadd.s32 s7, s5;
	s8 =	sadd.s32 s9, s26;
	s13 =	ssub.s32 s6, s29  }
0xc: {  	s14 =	sadd.s32 s30, s2;
	s6 =	sor.u32 $0x1C02, s31;
	s12 =	sadd.s32 s8, s5  }
0xd: {  	s5 =	sadd.s32 $0x15C00, s11;
	s7 =	sadd.s32 $0x8DC00, s10;
	s8 =	sadd.s32 $0x5C00, s10  }
0xe: {  	s10 =	smax.u32 s13, $0x1;
	s11 =	sshrl.u32 s14, $0x3;
	s13 =	simm.s32 $0x4000  }
0xf: {  	s14 =	simm.s32 $0x50;
	s9 =	sadd.s32 $0x9DC00, s12;
	s12 =	simm.s32 $0x2  }
.LBB2_1:
0x10: {  	[spmem:s11], [sflag:s6] =	dma.local [hbm:s5], $0x2800  }
0x11: {  	_ =	swait.ge [sflag:s12], $0x2800  }
0x12: {  	[sflag:s12] =	ssyncset.done $0x0  }
0x13: {  	[sflag:s12] =	ssyncadd.s32 $0xFFFFD800  }
0x14: {  	[tilespmem:s4], [sflag:$0x2] =	stream.linear.gather [hbm4b:s7+s4], $0x3E80, $0x38;
	[tilespmem:$0x1E800] =	vst v63  }
0x15: {  	_ =	swait.ge [sflag:s12], $0x3E80  }
0x16: {  	[sflag:s12] =	ssyncset.done $0x0  }
0x17: {  	[sflag:s12] =	ssyncadd.s32 $0xFFFFC180  }
0x18: {  	[tilespmem:s13], [sflag:$0x2] =	stream.linear.gather [hbm4b:s8+s4], $0x3E80, $0x38;
	[tilespmem:$0x1E800] =	vst v63  }
0x19: {  	_ =	swait.ge [sflag:s12], $0x3E80  }
0x1a: {  	[sflag:s12] =	ssyncset.done $0x0  }
0x1b: {  	[sflag:s12] =	ssyncadd.s32 $0xFFFFC180  }
0x1c: {  	s18 =	simm.s32 $0x0;
	[bflag:$0x0] =	sbarrier.arrive $0xFFFF  }
0x1d: {  	[tilespmem:s15], [sflag:$0x1] =	stream.indirect.gather [hbm4b:s1+s14], $0x80, s18, s14, $0xb8;
	[tilespmem:$0x1E800] =	vst v63  }
0x1e: {  	_ =	swait.ge [sflag:s16], $0x2800  }
0x1f: {  	[sflag:s16] =	ssyncset.done $0x0  }
0x20: {  	s31 =	simm.s32 $0x4000;
	[sflag:s16] =	ssyncadd.s32 $0xFFFFD800  }
0x21: {  	[spmem:s2] =	stream.indirect.scatter.add.f32 [tilespmem:s15], [sflag:$0x2], $0x80, s31, s14, $0xb8;
	[tilespmem:$0x1E800] =	vst v63  }
0x22: {  	_ =	swait.ge [sflag:s12], $0x2800  }
0x23: {  	s19 =	simm.s32 $0x400;
	s18 =	simm.s32 $0x200;
	[sflag:s12] =	ssyncset.done $0x0  }
.LBB2_2:
0x24: {  	s20 =	sshra.s32 s18, $0x2  }
0x25: {  	[sflag:s12] =	ssyncadd.s32 $0xFFFFD800;
	s18 =	smov.u32 s19;
	s21 =	sadd.s32 $0x200, s19  }
0x26: {  	[tilespmem:s15], [sflag:$0x1] =	stream.indirect.gather [hbm4b:s1+s14], $0x80, s20, s14, $0xb8;
	[tilespmem:$0x1E800] =	vst v63  }
0x27: {  	p0 =	sne.s32 s19, $0xF800;
	_ =	swait.ge [sflag:s16], $0x2800  }
.Ltmp0:
0x28: {  	[sflag:s16] =	ssyncset.done $0x0;
	(pc) =	sbr.rel @p0 .LBB2_2-.Ltmp0, $4  }
0x29: {  	s19 =	sadd.s32 $0x4000, s20;
	[sflag:s16] =	ssyncadd.s32 $0xFFFFD800  }
0x2a: {  	[spmem:s2] =	stream.indirect.scatter.add.f32 [tilespmem:s15], [sflag:$0x2], $0x80, s19, s14, $0xb8;
	[tilespmem:$0x1E800] =	vst v63  }
0x2b: {  	_ =	swait.ge [sflag:s12], $0x2800  }
0x2c: {  	s19 =	smov.u32 s21;
	[sflag:s12] =	ssyncset.done $0x0  }
0x2d: {  	s18 =	sshra.s32 s18, $0x2;
	[sflag:s12] =	ssyncadd.s32 $0xFFFFD800  }
0x2e: {  	[tilespmem:s15], [sflag:$0x1] =	stream.indirect.gather [hbm4b:s1+s14], $0x80, s18, s14, $0xb8;
	[tilespmem:$0x1E800] =	vst v63  }
0x2f: {  	_ =	swait.ge [sflag:s16], $0x2800  }
0x30: {  	[sflag:s16] =	ssyncset.done $0x0  }
0x31: {  	s18 =	sadd.s32 $0x4000, s18;
	[sflag:s16] =	ssyncadd.s32 $0xFFFFD800  }
0x32: {  	[spmem:s2] =	stream.indirect.scatter.add.f32 [tilespmem:s15], [sflag:$0x2], $0x80, s18, s14, $0xb8;
	[tilespmem:$0x1E800] =	vst v63  }
0x33: {  	_ =	swait.ge [sflag:s12], $0x2800  }
0x34: {  	s17 =	sadd.s32 $0x1, s17;
	[sflag:s12] =	ssyncset.done $0x0  }
0x35: {  	p0 =	sne.s32 s17, s10;
	[sflag:s12] =	ssyncadd.s32 $0xFFFFD800  }
.Ltmp1:
0x36: {  	[bflag:$0x0] =	sbarrier.arrive $0xFFFF;
	(pc) =	sbr.rel @p0 .LBB2_1-.Ltmp1, $4  }
0x37: {  	[hbm:s9], [sflag:s6] =	dma.local [spmem:s11], $0x2800  }
0x38: {  	_ =	swait.ge [sflag:s12], $0x2800  }
0x39: {  	[sflag:s12] =	ssyncset.done $0x0  }
0x3a: {  	[sflag:s12] =	ssyncadd.s32 $0xFFFFD800  }
0x3b: {  	_ =	sfence.sel $0x180000  }
0x3c: {  	[bflag:$0x0] =	sbarrier.arrive $0xFFFF  }
0x3d: {  	p0 =	sne.s32 s3, $0x0;
	_ =	strace $0x90000050  }
0x3e: {  	s0 =	sadd.s32 @!p0 $0x100000, s0;
	[bflag:$0x2] =	sbarrier.arrive $0xFFFF  }
0x3f: {  	[sflag:s0] =	ssyncadd.tile.s32 @!p0 $0x1;
	_ =	shalt  }
.Lfunc_end2:
_tile_overlayer_lowered:
.L_overlay_start_2:
0x40: {  	(tag) =	ssettag $0x2  }
0x41: {  	s0 =	rddreg [dreg:$0x0];
	s2 =	stileid.u32  }
0x42: {  	s1 =	rddreg [dreg:$0x1];
	p0 =	sne.s32 s2, $0x0  }
0x43: {  	s3 =	rddreg [dreg:$0x2];
	[bflag:$0x3] =	sbarrier.arrive $0xFFFF;
	s2 =	simm.s32 @!p0 $0x1C02  }
0x44: {  	[timem:s3], [sflag:s2] =	dma.local @!p0 [hbm:s0], s1  }
0x45: {  	s0 =	simm.s32 @!p0 $0x2  }
0x46: {  	_ =	swait.ge @!p0 [sflag:s0], s1  }
0x47: {  	s1 =	ssub.s32 @!p0 $0x0, s1;
	[sflag:s0] =	ssyncset.done @!p0 $0x0  }
0x48: {  	[sflag:s0] =	ssyncadd.s32 @!p0 s1  }
0x49: {  	[bflag:$0x3] =	sbarrier.arrive $0xFFFF  }
0x4a: {  	_ =	shalt  }

// kernel: kernel.25.cloned.1.call-start
scs
__scs_entry_jumppad:
0x0: {  	(pc) =	sbr.rel $0x88, $3  }
0x1: {  	(tag) =	ssettag $0x0;
	lr =	simm.s32 $0x1  }
0x2: {  	[smem:$0x3F91] =	sst lr;
	_ =	strace $0xD0000000  }
0x3: {  	_ = 	snop  }
0x4: {  	_ = 	snop  }
0x5: {  	_ = 	snop  }
0x6: {  	_ = 	snop  }
0x7: {  	_ = 	snop  }
__scs_overlays_trampoline_lowered:
0x8: {  	[smem:$0x3FA0] =	sst s0  }
0x9: {  	[smem:$0x3FA1] =	sst s1  }
0xa: {  	[smem:$0x3FA2] =	sst s2  }
0xb: {  	[smem:$0x3FA3] =	sst s3  }
0xc: {  	[smem:$0x3FA4] =	sst s4  }
0xd: {  	[smem:$0x3FA5] =	sst s5  }
0xe: {  	[smem:$0x3FA6] =	sst s6  }
0xf: {  	[smem:$0x3FA7] =	sst s7  }
0x10: {  	[smem:$0x3FA8] =	sst s8  }
0x11: {  	[smem:$0x3FA9] =	sst s9;
	s0 =	simm.s32 @!p0 $0x0  }
0x12: {  	s1 =	sld [smem:$0x3F8F];
	s0 =	simm.s32 @p0 $0x1  }
0x13: {  	[smem:$0x3FAA] =	sst s0;
	s0 =	simm.s32 @!p1 $0x0  }
0x14: {  	s2 =	sld [smem:$0x3F8E];
	s0 =	simm.s32 @p1 $0x1  }
0x15: {  	[smem:$0x3FAB] =	sst s0;
	s0 =	simm.s32 @!p2 $0x0  }
0x16: {  	s3 =	sld [smem:$0x3FDB];
	s0 =	simm.s32 @p2 $0x1  }
0x17: {  	s4 =	simm.s32 $0x1BF5;
	[smem:$0x3FAD] =	sst s0  }
0x18: {  	s0 =	sld [smem:$0x3F90];
	_ =	swait.ge [sflag:s4], $0x0  }
0x19: {  	s7 =	sld [smem:$0x3F91]  }
0x1a: {  	s8 =	sadd.s32 $0xFFFFE003, lr  }
0x1b: {  	s9 =	sadd.s32 $0xFFFFFEF7, lr;
	s5 =	simm.s32 $0xFFFFFFFF;
	p2 =	slt.u32 s8, $0xFFFFF086  }
0x1c: {  	p1 =	slt.u32 s9, $0xF7A;
	s5 =	simm.s32 @!p2 $0x0  }
0x1d: {  	s5 =	simm.s32 @p1 $0x1;
	p0 =	seq.s32 s7, s2  }
0x1e: {  	s7 =	smul.u32 @!p0 $0xF7A, s2;
	p2 =	seq.s32 @!p0 s5, $0x0  }
0x1f: {  	s9 =	smul.u32 $0xF7A, s1;
	s8 =	simm.s32 @!p0 $0x1BF5;
	p2 =	por !p2, p0  }
0x20: {  	[sflag:s8] =	ssyncset.s32 @!p0 $0xFFFFF086;
	s6 =	sadd.s32 @!p0 s3, s7;
	s7 =	simm.s32 @!p0 $0x108  }
0x21: {  	s3 =	sadd.s32 s3, s9;
	s6 =	sadd.s32 @!p0 $0x88, s6;
	s7 =	simm.s32 @p2 $0x1082  }
0x22: {  	[simem:s7], [sflag:s8] =	dma.local @!p0 [hbm:s6], $0xF7A  }
0x23: {  	s9 =	sor.u32 $0xD0000000, s2;
	s6 =	simm.s32 $0x108;
	_ =	swait.ge @!p0 [sflag:s8], $0x0  }
0x24: {  	s3 =	sadd.s32 $0x88, s3;
	s6 =	simm.s32 @!p1 $0x1082;
	[sflag:s4] =	ssyncset.s32 $0xFFFFF086  }
0x25: {  	[simem:s6], [sflag:s4] =	dma.local [hbm:s3], $0xF7A  }
0x26: {  	[smem:$0x3F91] =	sst s1;
	(tag) =	ssettag s2;
	_ =	strace s9  }
0x27: {  	s1 =	sld [smem:$0x3FA1]  }
0x28: {  	s2 =	sld [smem:$0x3FA2]  }
0x29: {  	s4 =	sld [smem:$0x3FA4]  }
0x2a: {  	p0 =	seq.s32 s5, $0x0;
	s5 =	sld [smem:$0x3FA5]  }
0x2b: {  	s6 =	sld [smem:$0x3FA6]  }
0x2c: {  	s7 =	sld [smem:$0x3FA7]  }
0x2d: {  	s3 =	simm.s32 $0x108;
	s8 =	sld [smem:$0x3FA8]  }
0x2e: {  	s3 =	simm.s32 @!p0 $0x1082;
	s9 =	sld [smem:$0x3FA9]  }
0x2f: {  	lr =	sadd.s32 s0, s3;
	s0 =	sld [smem:$0x3FA0]  }
0x30: {  	s3 =	sld [smem:$0x3FA3]  }
0x31: {  	[smem:$0x3FAC] =	sst s10  }
0x32: {  	s10 =	sld [smem:$0x3FAA];
	_ =	sdelay $0x3  }
0x33: {  	p0 =	seq.s32 s10, $0x1;
	s10 =	sld [smem:$0x3FAC];
	_ =	sdelay $0x3  }
0x34: {  	[smem:$0x3FAC] =	sst s10  }
0x35: {  	s10 =	sld [smem:$0x3FAB];
	_ =	sdelay $0x3  }
0x36: {  	p1 =	seq.s32 s10, $0x1;
	s10 =	sld [smem:$0x3FAC];
	_ =	sdelay $0x3  }
0x37: {  	[smem:$0x3FAC] =	sst s10  }
0x38: {  	s10 =	sld [smem:$0x3FAD]  }
0x39: {  	_ = 	snop;
	(pc) =	sbr.ind lr, $3  }
0x3a: {  	_ = 	snop  }
0x3b: {  	_ = 	snop  }
0x3c: {  	p2 =	seq.s32 s10, $0x1;
	s10 =	sld [smem:$0x3FAC]  }
0x3d: {  	_ =	shalt  }
0x3e: {  	_ =	shalt  }
0x3f: {  	_ =	shalt  }
0x40: {  	_ =	shalt  }
0x41: {  	_ =	shalt  }
0x42: {  	_ =	shalt  }
0x43: {  	_ =	shalt  }
0x44: {  	_ =	shalt  }
0x45: {  	_ =	shalt  }
0x46: {  	_ =	shalt  }
0x47: {  	_ =	shalt  }
0x48: {  	_ =	shalt  }
0x49: {  	_ =	shalt  }
0x4a: {  	_ =	shalt  }
0x4b: {  	_ =	shalt  }
0x4c: {  	_ =	shalt  }
0x4d: {  	_ =	shalt  }
0x4e: {  	_ =	shalt  }
0x4f: {  	_ =	shalt  }
0x50: {  	_ =	shalt  }
0x51: {  	_ =	shalt  }
0x52: {  	_ =	shalt  }
0x53: {  	_ =	shalt  }
0x54: {  	_ =	shalt  }
0x55: {  	_ =	shalt  }
0x56: {  	_ =	shalt  }
0x57: {  	_ =	shalt  }
0x58: {  	_ =	shalt  }
0x59: {  	_ =	shalt  }
0x5a: {  	_ =	shalt  }
0x5b: {  	_ =	shalt  }
0x5c: {  	_ =	shalt  }
0x5d: {  	_ =	shalt  }
0x5e: {  	_ =	shalt  }
0x5f: {  	_ =	shalt  }
0x60: {  	_ =	shalt  }
0x61: {  	_ =	shalt  }
0x62: {  	_ =	shalt  }
0x63: {  	_ =	shalt  }
0x64: {  	_ =	shalt  }
0x65: {  	_ =	shalt  }
0x66: {  	_ =	shalt  }
0x67: {  	_ =	shalt  }
0x68: {  	_ =	shalt  }
0x69: {  	_ =	shalt  }
0x6a: {  	_ =	shalt  }
0x6b: {  	_ =	shalt  }
0x6c: {  	_ =	shalt  }
0x6d: {  	_ =	shalt  }
0x6e: {  	_ =	shalt  }
0x6f: {  	_ =	shalt  }
0x70: {  	_ =	shalt  }
0x71: {  	_ =	shalt  }
0x72: {  	_ =	shalt  }
0x73: {  	_ =	shalt  }
0x74: {  	_ =	shalt  }
0x75: {  	_ =	shalt  }
0x76: {  	_ =	shalt  }
0x77: {  	_ =	shalt  }
0x78: {  	_ =	shalt  }
0x79: {  	_ =	shalt  }
0x7a: {  	_ =	shalt  }
0x7b: {  	_ =	shalt  }
0x7c: {  	_ =	shalt  }
0x7d: {  	_ =	shalt  }
0x7e: {  	_ =	shalt  }
0x7f: {  	_ =	shalt  }
0x80: {  	_ =	shalt  }
0x81: {  	_ =	shalt  }
0x82: {  	_ =	shalt  }
0x83: {  	_ =	shalt  }
0x84: {  	_ =	shalt  }
0x85: {  	_ =	shalt  }
0x86: {  	_ =	shalt  }
0x87: {  	_ =	shalt  }
.Lfunc_end0:
.L_simem_size_0:
called_computation.4_lowered:
.L_overlay_start_0:
0x88: {  	s2 =	sld [smem:$0x3FD9]  }
0x89: {  	s3 =	sld [smem:$0x3FFE];
	_ =	sdelay $0x1  }
0x8a: {  	s1 =	srdreg.scid  }
0x8b: {  	s0 =	sand.u32 $0x1, s1  }
0x8c: {  	s17 =	sshll.u32 s0, $0xA;
	s2 =	sadd.s32 s3, s2  }
0x8d: {  	s2 =	sadd.s32 s2, s17  }
0x8e: {  	[smem:$0x3FB8] =	sst s2  }
0x8f: {  	_ = 	snop  }
0x90: {  	s2 =	sld [smem:$0x3FD0];
	(tm) =	ssettm $0x1  }
0x91: {  	s18 =	sld [smem:$0x3FFB];
	_ =	sdelay $0x3  }
0x92: {  	_ =	strace s18  }
0x93: {  	s3 =	sld [smem:$0x3FFC];
	_ =	sdelay $0x3  }
0x94: {  	_ =	strace s3  }
0x95: {  	s3 =	sld [smem:$0x3FFD];
	_ =	sdelay $0x3  }
0x96: {  	_ =	strace s3  }
0x97: {  	_ =	strace $0x8FFFFFFF  }
0x98: {  	s19 =	sld [smem:$0x3FDB];
	_ =	sdelay $0x1  }
0x99: {  	s4 =	simm.s32 $_scs_section_size  }
0x9a: {  	s5 =	simm.s32 $_size__tile_overlayer_lowered;
	s6 =	simm.s32 $_tile_overlayer_lowered  }
0x9b: {  	s22 =	simm.s32 $0x1BFF;
	s21 =	sshll.u32 s6, $0x1;
	s3 =	sadd.s32 s4, s19  }
0x9c: {  	s7 =	simm.s32 $0x0;
	s20 =	sshll.u32 s5, $0x1;
	s5 =	sadd.s32 s21, s3  }
0x9d: {  	[timem:s7], [sflag:s22] =	dma.local [hbm:s5], s20  }
0x9e: {  	_ =	swait.ge [sflag:s22], s20  }
0x9f: {  	s4 =	ssub.s32 $0x0, s20;
	[sflag:s22] =	ssyncset.done $0x0  }
0xa0: {  	[sflag:s22] =	ssyncadd.s32 s4;
	_ =	sdelay $0x1  }
0xa1: {  	s23 =	simm.s32 $0x1B8B  }
0xa2: {  	_ =	swait.ge [sflag:s23], $0x1  }
0xa3: {  	[sflag:s23] =	ssyncset.done $0x0  }
0xa4: {  	s25 =	simm.s32 $0x1B8E;
	s24 =	sld [smem:$0x3FFE];
	[sflag:s23] =	ssyncadd.s32 $0xFFFFFFFF  }
0xa5: {  	s26 =	simm.s32 $execute0_lowered;
	[smem:$0x3FD2] =	sst s25  }
0xa6: {  	s5 =	sshll.u32 s26, $0x1;
	_ =	strace $0x80000052;
	[dreg:$0x1] =	wrdreg $0xFFFFFFFF  }
0xa7: {  	s28 =	simm.s32 $_size_execute0_lowered;
	s3 =	sadd.s32 s3, s5;
	[dreg:$0x0] =	wrdreg $0x0  }
0xa8: {  	s5 =	sshll.u32 s28, $0x1;
	[dreg:$0x2] =	wrdreg s3  }
0xa9: {  	[dreg:$0x3] =	wrdreg s5  }
0xaa: {  	[dreg:$0x4] =	wrdreg $0xC0  }
0xab: {  	_ =	task [dreg:s7], $0x5FFFF  }
0xac: {  	[dreg:$0x1] =	wrdreg $0xFFFFFFFF  }
0xad: {  	[dreg:$0x0] =	wrdreg $0x60  }
0xae: {  	[dreg:$0x2] =	wrdreg s2  }
0xaf: {  	[dreg:$0x3] =	wrdreg s24  }
0xb0: {  	[dreg:$0x4] =	wrdreg $0xA8000  }
0xb1: {  	[dreg:$0x5] =	wrdreg $0x9  }
0xb2: {  	_ =	task.clear_ibuf [dreg:s7], $0x6FFFF;
	_ =	strace $0x90000052  }
0xb3: {  	s29 =	simm.s32 $0x9;
	_ =	strace $0x80000054  }
0xb4: {  	_ =	swait.ge [sflag:s29], $0x1  }
0xb5: {  	[sflag:s29] =	ssyncadd.s32 $0xFFFFFFFF  }
0xb6: {  	_ =	strace $0x90000054  }
0xb7: {  	_ =	sfence  }
0xb8: {  	s30 =	sld [smem:$0x0];
	_ =	sdelay $0x2  }
0xb9: {  	s31 =	sshll.u32 s1, $0xD;
	s1 =	sshrl.u32 s1, $0x2  }
0xba: {  	s3 =	sand.u32 $0x4000, s31;
	s1 =	sadd.s32 s1, s30  }
0xbb: {  	s0 =	sor.u32 s3, s0;
	s1 =	sshll.u32 s1, $0x11  }
0xbc: {  	s0 =	sor.u32 s1, s0  }
0xbd: {  	s0 =	sadd.s32 $0x8F2B, s0  }
0xbe: {  	[sflag:s0] =	ssyncadd.remote.s32 $0x1  }
0xbf: {  	_ =	sfence.sel $0xFFFF  }
0xc0: {  	[dreg:$0x0] =	wrdreg $0xFFFFFFFF;
	(pc) =	sbr.abs _section_cstart, $3  }
0xc1: {  	[dreg:$0x1] =	wrdreg $0xFFFFFFFF  }
0xc2: {  	_ =	task.clear_ibuf [dreg:s7], $0x2FFFF;
	_ =	strace $0x9FFFFFFF  }
0xc3: {  	(tm) =	ssettm $0x7FFFFFFF  }
tec
execute0_lowered:
.L_overlay_start_1:
0x0: {  	(tag) =	ssettag $0x1  }
0x1: {  	s1 =	rddreg [dreg:$0x0]  }
0x2: {  	s5 =	rddreg [dreg:$0x1]  }
0x3: {  	s2 =	rddreg [dreg:$0x2]  }
0x4: {  	s0 =	rddreg [dreg:$0x3];
	s4 =	simm.s32 $0x0;
	s6 =	srdreg.scid  }
0x5: {  	s3 =	stileid.u32;
	s15 =	simm.s32 $0x8000;
	s16 =	simm.s32 $0x1  }
0x6: {  	s17 =	simm.s32 $0x0;
	[smem:$0x7FF] =	sst s4;
	s9 =	smul.u32 $0x2800, s3  }
0x7: {  	s6 =	sand.u32 $0x1, s6;
	s8 =	sshll.u32 s3, $0xB;
	s28 =	smul.u32 $0x50000, s3  }
0x8: {  	s31 =	sshll.u32 s3, $0x6;
	s7 =	sshll.u32 s6, $0xF;
	_ =	strace $0x80000053  }
0x9: {  	s26 =	smul.u32 $0x28000, s6;
	s6 =	ssub.s32 $0x2, s6;
	s7 =	sor.u32 s8, s7  }
0xa: {  	s11 =	sadd.s32 s9, s5;
	s29 =	sshrl.u32 s6, $0x1;
	s30 =	sshrl.u32 s28, $0x2  }
0xb: {  	s10 =	sadd.s32 s7, s5;
	s8 =	sadd.s32 s9, s26;
	s13 =	ssub.s32 s6, s29  }
0xc: {  	s14 =	sadd.s32 s30, s2;
	s6 =	sor.u32 $0x1C02, s31;
	s12 =	sadd.s32 s8, s5  }
0xd: {  	s5 =	sadd.s32 $0x15C00, s11;
	s7 =	sadd.s32 $0x8DC00, s10;
	s8 =	sadd.s32 $0x5C00, s10  }
0xe: {  	s10 =	smax.u32 s13, $0x1;
	s11 =	sshrl.u32 s14, $0x3;
	s13 =	simm.s32 $0x4000  }
0xf: {  	s14 =	simm.s32 $0x50;
	s9 =	sadd.s32 $0x9DC00, s12;
	s12 =	simm.s32 $0x2  }
.LBB2_1:
0x10: {  	[spmem:s11], [sflag:s6] =	dma.local [hbm:s5], $0x2800  }
0x11: {  	_ =	swait.ge [sflag:s12], $0x2800  }
0x12: {  	[sflag:s12] =	ssyncset.done $0x0  }
0x13: {  	[sflag:s12] =	ssyncadd.s32 $0xFFFFD800  }
0x14: {  	[tilespmem:s4], [sflag:$0x2] =	stream.linear.gather [hbm4b:s7+s4], $0x3E80, $0x38;
	[tilespmem:$0x1E800] =	vst v63  }
0x15: {  	_ =	swait.ge [sflag:s12], $0x3E80  }
0x16: {  	[sflag:s12] =	ssyncset.done $0x0  }
0x17: {  	[sflag:s12] =	ssyncadd.s32 $0xFFFFC180  }
0x18: {  	[tilespmem:s13], [sflag:$0x2] =	stream.linear.gather [hbm4b:s8+s4], $0x3E80, $0x38;
	[tilespmem:$0x1E800] =	vst v63  }
0x19: {  	_ =	swait.ge [sflag:s12], $0x3E80  }
0x1a: {  	[sflag:s12] =	ssyncset.done $0x0  }
0x1b: {  	[sflag:s12] =	ssyncadd.s32 $0xFFFFC180  }
0x1c: {  	s18 =	simm.s32 $0x0;
	[bflag:$0x0] =	sbarrier.arrive $0xFFFF  }
0x1d: {  	[tilespmem:s15], [sflag:$0x1] =	stream.indirect.gather [hbm4b:s1+s14], $0x80, s18, s14, $0xb8;
	[tilespmem:$0x1E800] =	vst v63  }
0x1e: {  	_ =	swait.ge [sflag:s16], $0x2800  }
0x1f: {  	[sflag:s16] =	ssyncset.done $0x0  }
0x20: {  	s31 =	simm.s32 $0x4000;
	[sflag:s16] =	ssyncadd.s32 $0xFFFFD800  }
0x21: {  	[spmem:s2] =	stream.indirect.scatter.add.f32 [tilespmem:s15], [sflag:$0x2], $0x80, s31, s14, $0xb8;
	[tilespmem:$0x1E800] =	vst v63  }
0x22: {  	_ =	swait.ge [sflag:s12], $0x2800  }
0x23: {  	s19 =	simm.s32 $0x400;
	s18 =	simm.s32 $0x200;
	[sflag:s12] =	ssyncset.done $0x0  }
.LBB2_2:
0x24: {  	s20 =	sshra.s32 s18, $0x2  }
0x25: {  	[sflag:s12] =	ssyncadd.s32 $0xFFFFD800;
	s18 =	smov.u32 s19;
	s21 =	sadd.s32 $0x200, s19  }
0x26: {  	[tilespmem:s15], [sflag:$0x1] =	stream.indirect.gather [hbm4b:s1+s14], $0x80, s20, s14, $0xb8;
	[tilespmem:$0x1E800] =	vst v63  }
0x27: {  	p0 =	sne.s32 s19, $0xF800;
	_ =	swait.ge [sflag:s16], $0x2800  }
.Ltmp0:
0x28: {  	[sflag:s16] =	ssyncset.done $0x0;
	(pc) =	sbr.rel @p0 .LBB2_2-.Ltmp0, $4  }
0x29: {  	s19 =	sadd.s32 $0x4000, s20;
	[sflag:s16] =	ssyncadd.s32 $0xFFFFD800  }
0x2a: {  	[spmem:s2] =	stream.indirect.scatter.add.f32 [tilespmem:s15], [sflag:$0x2], $0x80, s19, s14, $0xb8;
	[tilespmem:$0x1E800] =	vst v63  }
0x2b: {  	_ =	swait.ge [sflag:s12], $0x2800  }
0x2c: {  	s19 =	smov.u32 s21;
	[sflag:s12] =	ssyncset.done $0x0  }
0x2d: {  	s18 =	sshra.s32 s18, $0x2;
	[sflag:s12] =	ssyncadd.s32 $0xFFFFD800  }
0x2e: {  	[tilespmem:s15], [sflag:$0x1] =	stream.indirect.gather [hbm4b:s1+s14], $0x80, s18, s14, $0xb8;
	[tilespmem:$0x1E800] =	vst v63  }
0x2f: {  	_ =	swait.ge [sflag:s16], $0x2800  }
0x30: {  	[sflag:s16] =	ssyncset.done $0x0  }
0x31: {  	s18 =	sadd.s32 $0x4000, s18;
	[sflag:s16] =	ssyncadd.s32 $0xFFFFD800  }
0x32: {  	[spmem:s2] =	stream.indirect.scatter.add.f32 [tilespmem:s15], [sflag:$0x2], $0x80, s18, s14, $0xb8;
	[tilespmem:$0x1E800] =	vst v63  }
0x33: {  	_ =	swait.ge [sflag:s12], $0x2800  }
0x34: {  	s17 =	sadd.s32 $0x1, s17;
	[sflag:s12] =	ssyncset.done $0x0  }
0x35: {  	p0 =	sne.s32 s17, s10;
	[sflag:s12] =	ssyncadd.s32 $0xFFFFD800  }
.Ltmp1:
0x36: {  	[bflag:$0x0] =	sbarrier.arrive $0xFFFF;
	(pc) =	sbr.rel @p0 .LBB2_1-.Ltmp1, $4  }
0x37: {  	[hbm:s9], [sflag:s6] =	dma.local [spmem:s11], $0x2800  }
0x38: {  	_ =	swait.ge [sflag:s12], $0x2800  }
0x39: {  	[sflag:s12] =	ssyncset.done $0x0  }
0x3a: {  	[sflag:s12] =	ssyncadd.s32 $0xFFFFD800  }
0x3b: {  	_ =	sfence.sel $0x180000  }
0x3c: {  	[bflag:$0x0] =	sbarrier.arrive $0xFFFF  }
0x3d: {  	p0 =	sne.s32 s3, $0x0;
	_ =	strace $0x90000053  }
0x3e: {  	s0 =	sadd.s32 @!p0 $0x100000, s0;
	[bflag:$0x2] =	sbarrier.arrive $0xFFFF  }
0x3f: {  	[sflag:s0] =	ssyncadd.tile.s32 @!p0 $0x1;
	_ =	shalt  }
.Lfunc_end2:
_tile_overlayer_lowered:
.L_overlay_start_2:
0x40: {  	(tag) =	ssettag $0x2  }
0x41: {  	s0 =	rddreg [dreg:$0x0];
	s2 =	stileid.u32  }
0x42: {  	s1 =	rddreg [dreg:$0x1];
	p0 =	sne.s32 s2, $0x0  }
0x43: {  	s3 =	rddreg [dreg:$0x2];
	[bflag:$0x3] =	sbarrier.arrive $0xFFFF;
	s2 =	simm.s32 @!p0 $0x1C02  }
0x44: {  	[timem:s3], [sflag:s2] =	dma.local @!p0 [hbm:s0], s1  }
0x45: {  	s0 =	simm.s32 @!p0 $0x2  }
0x46: {  	_ =	swait.ge @!p0 [sflag:s0], s1  }
0x47: {  	s1 =	ssub.s32 @!p0 $0x0, s1;
	[sflag:s0] =	ssyncset.done @!p0 $0x0  }
0x48: {  	[sflag:s0] =	ssyncadd.s32 @!p0 s1  }
0x49: {  	[bflag:$0x3] =	sbarrier.arrive $0xFFFF  }
0x4a: {  	_ =	shalt  }

</sc_bundles>
